<compile_context>
chip_gen: v7x
topology: tpu7x:2x2x1
jax: 0.10.2.dev20260603
libtpu: 0.0.44.dev20260713+nightly
codegen_flags: <defaults>
</compile_context>

<pallas_src>
import functools

import jax
import jax.numpy as jnp
from jax.experimental import pallas as pl
from jax.experimental.pallas import tpu as pltpu
from jax.experimental.pallas import tpu_sc as plsc

_WINDOW = 128
_BBLK = 256


def _sc_gather2(W_real, W_imag, idx2d):
    B = idx2d.shape[1]
    D = W_real.shape[1]
    mesh = plsc.VectorSubcoreMesh(core_axis_name="c", subcore_axis_name="s")
    NW = B // _WINDOW

    @functools.partial(
        pl.kernel,
        out_type=[
            jax.ShapeDtypeStruct((NW, _WINDOW, D), jnp.float32),
            jax.ShapeDtypeStruct((NW, _WINDOW, D), jnp.float32),
        ],
        mesh=mesh,
        scratch_types=[pltpu.SemaphoreType.DMA, pltpu.SemaphoreType.DMA],
        compiler_params=pltpu.CompilerParams(use_tc_tiling_on_sc=False),
    )
    def k(wr_hbm, wi_hbm, idx_hbm, r_hbm, i_hbm, sem_r, sem_i):
        def body(idx_v, r_v, i_v):
            cr = pltpu.async_copy(wr_hbm.at[idx_v.at[0]], r_v.at[0], sem_r)
            ci = pltpu.async_copy(wi_hbm.at[idx_v.at[0]], i_v.at[0], sem_i)
            cr.wait()
            ci.wait()

        pltpu.emit_pipeline(
            body,
            grid=(NW,),
            in_specs=[
                pl.BlockSpec((1, _WINDOW), index_map=lambda w: (0, w)),
            ],
            out_specs=[
                pl.BlockSpec((1, _WINDOW, D), index_map=lambda w: (w, 0, 0)),
                pl.BlockSpec((1, _WINDOW, D), index_map=lambda w: (w, 0, 0)),
            ],
            core_axis_name=("c", "s"),
            dimension_semantics=(pltpu.PARALLEL,),
        )(idx_hbm, r_hbm, i_hbm)

    return k(W_real, W_imag, idx2d)


def _tc_transpose2(r2d, i2d, BATCH, HIST, D):

    def body(r_ref, i_ref, rt_ref, it_ref):
        x = r_ref[...]
        y = i_ref[...]
        for h in range(HIST):
            rt_ref[h] = x[:, h * D:(h + 1) * D].T
            it_ref[h] = y[:, h * D:(h + 1) * D].T

    out_sds = jax.ShapeDtypeStruct((HIST, D, BATCH), jnp.float32)
    return pl.pallas_call(
        body,
        grid=(BATCH // _BBLK,),
        in_specs=[
            pl.BlockSpec((_BBLK, HIST * D), lambda w: (w, 0)),
            pl.BlockSpec((_BBLK, HIST * D), lambda w: (w, 0)),
        ],
        out_specs=[
            pl.BlockSpec((HIST, D, _BBLK), lambda w: (0, 0, w)),
            pl.BlockSpec((HIST, D, _BBLK), lambda w: (0, 0, w)),
        ],
        out_shape=[out_sds, out_sds],
    )(r2d, i2d)


def kernel(input, W_real, W_imag):
    BATCH, HIST = input.shape
    D = W_real.shape[1]
    idx2d = input.reshape(1, BATCH * HIST)
    r, i = _sc_gather2(W_real, W_imag, idx2d)
    r2d = r.reshape(BATCH, HIST * D)
    i2d = i.reshape(BATCH, HIST * D)
    r_t, i_t = _tc_transpose2(r2d, i2d, BATCH, HIST, D)
    out_t = jax.lax.complex(r_t, i_t)
    return jnp.transpose(out_t, (2, 0, 1))

# --- scband reference (transcript-rebuilt; emitter-appended) ---
"""Pipeline reference for scband-complex-embedding-31903017074954 (READ-ONLY COPY).

The authoritative reference and input builder live on the scoring server;
editing this copy changes nothing except your own understanding.
"""

import jax, jax.numpy as jnp
import numpy as np

NUM_EMBEDDINGS = 1000000
EMBEDDING_DIM = 32
BATCH = 16384
HIST = 50


def setup_inputs(seed: int = 0) -> dict:
    key = jax.random.key(seed)
    k1, k2, k3 = jax.random.split(key, 3)
    inp = jax.random.randint(k1, (BATCH, HIST), 0, NUM_EMBEDDINGS, dtype=jnp.int32)
    W_real = jax.random.normal(k2, (NUM_EMBEDDINGS, EMBEDDING_DIM), dtype=jnp.float32)
    W_imag = jax.random.normal(k3, (NUM_EMBEDDINGS, EMBEDDING_DIM), dtype=jnp.float32)
    return {"input": inp, "W_real": W_real, "W_imag": W_imag}


def reference(input, W_real, W_imag):
    # embed_real(input), embed_imag(input)
    r = jnp.take(W_real, input, axis=0)
    i = jnp.take(W_imag, input, axis=0)
    # torch.complex(r, i)
    return jax.lax.complex(r, i)

if __name__ == "__main__":
    import jax
    _d = setup_inputs()
    print(jax.jit(kernel)(*tuple(_d.values())))

</pallas_src>

<mosaic_0001>
#map = affine_map<(d0, d1) -> (0, 0)>
#map1 = affine_map<(d0, d1) -> (0, 0, 0)>
module attributes {stable_mosaic.version = 14 : i64} {
  func.func @k(%arg0: i32, %arg1: i32, %arg2: memref<1000000x32xf32, #tpu.memory_space<hbm>>, %arg3: memref<1000000x32xf32, #tpu.memory_space<hbm>>, %arg4: memref<1x819200xi32, #tpu.memory_space<hbm>>, %arg5: memref<6400x128x32xf32, #tpu.memory_space<hbm>>, %arg6: memref<6400x128x32xf32, #tpu.memory_space<hbm>>, %arg7: memref<!tpu.dma_semaphore, #tpu.memory_space<semaphore_mem>>, %arg8: memref<!tpu.dma_semaphore, #tpu.memory_space<semaphore_mem>>) attributes {dimension_semantics = [#tpu.dimension_semantics<core_parallel>, #tpu.dimension_semantics<subcore_parallel>], iteration_bounds = array<i64: 2, 16>, scalar_prefetch = 0 : i64, scratch_operands = 2 : i64, tpu.core_type = #tpu.core_type<sc_vector_subcore>, window_params = [{transform_indices = #map}, {transform_indices = #map}, {transform_indices = #map}, {transform_indices = #map1}, {transform_indices = #map1}]} {
    %mul3A = arith.constant 1 : i32
    %mul3A_0 = arith.muli %arg1, %mul3A : i32
    %add3A = arith.constant 0 : i32
    %add3A_1 = arith.addi %add3A, %mul3A_0 : i32
    %mul3A_2 = arith.constant 16 : i32
    %mul3A_3 = arith.muli %arg0, %mul3A_2 : i32
    %add3A_4 = arith.addi %add3A_1, %mul3A_3 : i32
    %mul3A_5 = arith.constant 200 : i32
    %mul3A_6 = arith.muli %add3A_4, %mul3A_5 : i32
    "tpu.region"() ({
      %run_scoped3A = memref.alloca() : memref<2x1x128xi32, #tpu.memory_space<vmem>>
      %run_scoped3A_7 = tpu.sem_alloc : memref<2x!tpu.dma_semaphore, #tpu.memory_space<semaphore_mem>>
      %run_scoped3A_8 = memref.alloca() : memref<2x1x128x32xf32, #tpu.memory_space<vmem>>
      %run_scoped3A_9 = tpu.sem_alloc : memref<2x!tpu.dma_semaphore, #tpu.memory_space<semaphore_mem>>
      %run_scoped3A_10 = memref.alloca() : memref<2x1x128x32xf32, #tpu.memory_space<vmem>>
      %run_scoped3A_11 = tpu.sem_alloc : memref<2x!tpu.dma_semaphore, #tpu.memory_space<semaphore_mem>>
      %add3A_12 = arith.constant 0 : i32
      %add3A_13 = arith.addi %add3A_12, %mul3A_6 : i32
      %select_n3A = arith.constant true
      %select_n3A_14 = arith.constant 0 : i32
      %select_n3A_15 = arith.constant -1 : i32
      %select_n3A_16 = arith.select %select_n3A, %select_n3A_15, %select_n3A_14 : i32
      %eq3A = arith.constant -1 : i32
      %eq3A_17 = arith.cmpi eq, %select_n3A_16, %eq3A : i32
      %select_n3A_18 = arith.constant 199 : i32
      %select_n3A_19 = arith.select %eq3A_17, %select_n3A_18, %select_n3A_16 : i32
      %add3A_20 = arith.addi %select_n3A_19, %mul3A_6 : i32
      %select_n3A_21 = arith.constant true
      %select_n3A_22 = arith.constant 0 : i32
      %select_n3A_23 = arith.constant 1 : i32
      %select_n3A_24 = arith.select %select_n3A_21, %select_n3A_23, %select_n3A_22 : i32
      %eq3A_25 = arith.constant 200 : i32
      %eq3A_26 = arith.cmpi eq, %select_n3A_24, %eq3A_25 : i32
      %select_n3A_27 = arith.constant 0 : i32
      %select_n3A_28 = arith.select %eq3A_26, %select_n3A_27, %select_n3A_24 : i32
      %add3A_29 = arith.addi %select_n3A_28, %mul3A_6 : i32
      %add3A_30 = arith.constant 1 : i32
      %add3A_31 = arith.addi %select_n3A_28, %add3A_30 : i32
      %select_n3A_32 = arith.constant true
      %select_n3A_33 = arith.select %select_n3A_32, %add3A_31, %select_n3A_28 : i32
      %eq3A_34 = arith.constant 200 : i32
      %eq3A_35 = arith.cmpi eq, %select_n3A_33, %eq3A_34 : i32
      %select_n3A_36 = arith.constant 0 : i32
      %select_n3A_37 = arith.select %eq3A_35, %select_n3A_36, %select_n3A_33 : i32
      %add3A_38 = arith.addi %select_n3A_37, %mul3A_6 : i32
      "tpu.trace_start"() <{level = 10 : i32, message = "ep_initialize_0"}> : () -> ()
      %rem3A = arith.constant 0 : i32
      %rem3A_39 = arith.constant 2 : i32
      %rem3A_40 = arith.remui %rem3A, %rem3A_39 : i32
      %mul3A_41 = arith.constant 128 : i32
      %mul3A_42 = arith.muli %mul3A_41, %add3A_13 : i32
      %dma_start3A = arith.constant 0 : i32
      %dma_start3A_43 = arith.constant 0 : i32
      %dma_start3A_44 = tpu.memref_slice %run_scoped3A[%rem3A_40, %dma_start3A, %dma_start3A_43] : memref<2x1x128xi32, #tpu.memory_space<vmem>> -> memref<1x1x128xi32, #tpu.memory_space<vmem>>
      %dma_start3A_45 = tpu.memref_squeeze %dma_start3A_44 : memref<1x1x128xi32, #tpu.memory_space<vmem>> -> memref<1x128xi32, #tpu.memory_space<vmem>>
      %dma_start3A_46 = arith.constant 0 : i32
      %dma_start3A_47 = tpu.memref_slice %arg4[%dma_start3A_46, %mul3A_42] : memref<1x819200xi32, #tpu.memory_space<hbm>> -> memref<1x128xi32, #tpu.memory_space<hbm>>
      %dma_start3A_48 = tpu.memref_slice %run_scoped3A_7[%rem3A_40] : memref<2x!tpu.dma_semaphore, #tpu.memory_space<semaphore_mem>> -> memref<1x!tpu.dma_semaphore, #tpu.memory_space<semaphore_mem>>
      %dma_start3A_49 = tpu.memref_squeeze %dma_start3A_48 : memref<1x!tpu.dma_semaphore, #tpu.memory_space<semaphore_mem>> -> memref<!tpu.dma_semaphore, #tpu.memory_space<semaphore_mem>>
      %dma_start3A_50 = arith.constant 0 : i32
      %dma_start3A_51 = arith.constant 0 : i32
      %dma_start3A_52 = tpu.memref_slice %run_scoped3A[%rem3A_40, %dma_start3A_50, %dma_start3A_51] : memref<2x1x128xi32, #tpu.memory_space<vmem>> -> memref<1x1x128xi32, #tpu.memory_space<vmem>>
      %dma_start3A_53 = tpu.memref_squeeze %dma_start3A_52 : memref<1x1x128xi32, #tpu.memory_space<vmem>> -> memref<1x128xi32, #tpu.memory_space<vmem>>
      %dma_start3A_54 = arith.constant 0 : i32
      %dma_start3A_55 = tpu.memref_slice %arg4[%dma_start3A_54, %mul3A_42] : memref<1x819200xi32, #tpu.memory_space<hbm>> -> memref<1x128xi32, #tpu.memory_space<hbm>>
      tpu.enqueue_dma source(%dma_start3A_55 : memref<1x128xi32, #tpu.memory_space<hbm>>) target(%dma_start3A_53 : memref<1x128xi32, #tpu.memory_space<vmem>>) target_semaphore(%dma_start3A_49 : memref<!tpu.dma_semaphore, #tpu.memory_space<semaphore_mem>>)
      %add3A_56 = arith.constant 0 : i32
      %add3A_57 = arith.constant 1 : i32
      %add3A_58 = arith.addi %add3A_56, %add3A_57 : i32
      %select_n3A_59 = arith.constant true
      %select_n3A_60 = arith.constant 0 : i32
      %select_n3A_61 = arith.select %select_n3A_59, %add3A_58, %select_n3A_60 : i32
      "tpu.trace_stop"() : () -> ()
      %scan3A = arith.constant 0 : i32
      %scan3A_62 = arith.constant 0 : i32
      %scan3A_63 = arith.constant 0 : i32
      %scan3A_64 = arith.constant 0 : i32
      %scan3A_65 = arith.constant 0 : i32
      %scan3A_66 = arith.constant 0 : i32
      %scan3A_67 = arith.constant 0 : i32
      %scan3A_68 = arith.constant 200 : i32
      %scan3A_69 = arith.addi %scan3A_67, %scan3A_68 : i32
      %scan3A_70 = arith.constant 1 : i32
      %scan3A_71:7 = scf.for %scan3A_151 = %scan3A_67 to %scan3A_69 step %scan3A_70 iter_args(%scan3A_152 = %select_n3A_61, %scan3A_153 = %scan3A, %scan3A_154 = %scan3A_62, %scan3A_155 = %scan3A_63, %scan3A_156 = %scan3A_64, %scan3A_157 = %scan3A_65, %scan3A_158 = %scan3A_66) -> (i32, i32, i32, i32, i32, i32, i32)  : i32 {
        %eq3A_159 = arith.constant 0 : i32
        %eq3A_160 = arith.cmpi eq, %scan3A_151, %eq3A_159 : i32
        %eq3A_161 = arith.constant 199 : i32
        %eq3A_162 = arith.cmpi eq, %scan3A_151, %eq3A_161 : i32
        %add3A_163 = arith.addi %scan3A_158, %mul3A_6 : i32
        %sub3A_164 = arith.constant 1 : i32
        %sub3A_165 = arith.subi %scan3A_158, %sub3A_164 : i32
        %select_n3A_166 = arith.constant true
        %select_n3A_167 = arith.select %select_n3A_166, %sub3A_165, %scan3A_158 : i32
        %eq3A_168 = arith.constant -1 : i32
        %eq3A_169 = arith.cmpi eq, %select_n3A_167, %eq3A_168 : i32
        %select_n3A_170 = arith.constant 199 : i32
        %select_n3A_171 = arith.select %eq3A_169, %select_n3A_170, %select_n3A_167 : i32
        %add3A_172 = arith.addi %select_n3A_171, %mul3A_6 : i32
        %add3A_173 = arith.constant 1 : i32
        %add3A_174 = arith.addi %scan3A_158, %add3A_173 : i32
        %select_n3A_175 = arith.constant true
        %select_n3A_176 = arith.select %select_n3A_175, %add3A_174, %scan3A_158 : i32
        %eq3A_177 = arith.constant 200 : i32
        %eq3A_178 = arith.cmpi eq, %select_n3A_176, %eq3A_177 : i32
        %select_n3A_179 = arith.constant 0 : i32
        %select_n3A_180 = arith.select %eq3A_178, %select_n3A_179, %select_n3A_176 : i32
        %add3A_181 = arith.addi %select_n3A_180, %mul3A_6 : i32
        %add3A_182 = arith.constant 1 : i32
        %add3A_183 = arith.addi %select_n3A_180, %add3A_182 : i32
        %select_n3A_184 = arith.constant true
        %select_n3A_185 = arith.select %select_n3A_184, %add3A_183, %select_n3A_180 : i32
        %eq3A_186 = arith.constant 200 : i32
        %eq3A_187 = arith.cmpi eq, %select_n3A_185, %eq3A_186 : i32
        %select_n3A_188 = arith.constant 0 : i32
        %select_n3A_189 = arith.select %eq3A_187, %select_n3A_188, %select_n3A_185 : i32
        %add3A_190 = arith.addi %select_n3A_189, %mul3A_6 : i32
        %ne3A = arith.cmpi ne, %add3A_163, %add3A_181 : i32
        %or3A = arith.constant false
        %or3A_191 = arith.ori %or3A, %ne3A : i1
        %ge3A = arith.constant 199 : i32
        %ge3A_192 = arith.cmpi sge, %scan3A_151, %ge3A : i32
        %not3A = arith.constant true
        %not3A_193 = arith.xori %ge3A_192, %not3A : i1
        %and3A = arith.andi %or3A_191, %not3A_193 : i1
        %convert_element_type3A = arith.extui %and3A : i1 to i32
        %cond3A = arith.constant 0 : i32
        %cond3A_194 = arith.cmpi ne, %convert_element_type3A, %cond3A : i32
        scf.if %cond3A_194 {
          "tpu.trace_start"() <{level = 10 : i32, message = "ep_copy_in"}> : () -> ()
          %rem3A_446 = arith.constant 2 : i32
          %rem3A_447 = arith.remui %scan3A_152, %rem3A_446 : i32
          %mul3A_448 = arith.constant 128 : i32
          %mul3A_449 = arith.muli %mul3A_448, %add3A_181 : i32
          %dma_start3A_450 = arith.constant 0 : i32
          %dma_start3A_451 = arith.constant 0 : i32
          %dma_start3A_452 = tpu.memref_slice %run_scoped3A[%rem3A_447, %dma_start3A_450, %dma_start3A_451] : memref<2x1x128xi32, #tpu.memory_space<vmem>> -> memref<1x1x128xi32, #tpu.memory_space<vmem>>
          %dma_start3A_453 = tpu.memref_squeeze %dma_start3A_452 : memref<1x1x128xi32, #tpu.memory_space<vmem>> -> memref<1x128xi32, #tpu.memory_space<vmem>>
          %dma_start3A_454 = arith.constant 0 : i32
          %dma_start3A_455 = tpu.memref_slice %arg4[%dma_start3A_454, %mul3A_449] : memref<1x819200xi32, #tpu.memory_space<hbm>> -> memref<1x128xi32, #tpu.memory_space<hbm>>
          %dma_start3A_456 = tpu.memref_slice %run_scoped3A_7[%rem3A_447] : memref<2x!tpu.dma_semaphore, #tpu.memory_space<semaphore_mem>> -> memref<1x!tpu.dma_semaphore, #tpu.memory_space<semaphore_mem>>
          %dma_start3A_457 = tpu.memref_squeeze %dma_start3A_456 : memref<1x!tpu.dma_semaphore, #tpu.memory_space<semaphore_mem>> -> memref<!tpu.dma_semaphore, #tpu.memory_space<semaphore_mem>>
          %dma_start3A_458 = arith.constant 0 : i32
          %dma_start3A_459 = arith.constant 0 : i32
          %dma_start3A_460 = tpu.memref_slice %run_scoped3A[%rem3A_447, %dma_start3A_458, %dma_start3A_459] : memref<2x1x128xi32, #tpu.memory_space<vmem>> -> memref<1x1x128xi32, #tpu.memory_space<vmem>>
          %dma_start3A_461 = tpu.memref_squeeze %dma_start3A_460 : memref<1x1x128xi32, #tpu.memory_space<vmem>> -> memref<1x128xi32, #tpu.memory_space<vmem>>
          %dma_start3A_462 = arith.constant 0 : i32
          %dma_start3A_463 = tpu.memref_slice %arg4[%dma_start3A_462, %mul3A_449] : memref<1x819200xi32, #tpu.memory_space<hbm>> -> memref<1x128xi32, #tpu.memory_space<hbm>>
          tpu.enqueue_dma source(%dma_start3A_463 : memref<1x128xi32, #tpu.memory_space<hbm>>) target(%dma_start3A_461 : memref<1x128xi32, #tpu.memory_space<vmem>>) target_semaphore(%dma_start3A_457 : memref<!tpu.dma_semaphore, #tpu.memory_space<semaphore_mem>>)
          "tpu.trace_stop"() : () -> ()
        } else {
        }
        %and3A_195 = arith.constant true
        %and3A_196 = arith.andi %and3A, %and3A_195 : i1
        %add3A_197 = arith.constant 1 : i32
        %add3A_198 = arith.addi %scan3A_152, %add3A_197 : i32
        %select_n3A_199 = arith.select %and3A_196, %add3A_198, %scan3A_152 : i32
        %ne3A_200 = arith.cmpi ne, %add3A_163, %add3A_181 : i32
        %or3A_201 = arith.constant false
        %or3A_202 = arith.ori %or3A_201, %ne3A_200 : i1
        %or3A_203 = arith.constant false
        %or3A_204 = arith.ori %or3A_202, %or3A_203 : i1
        %or3A_205 = arith.constant false
        %or3A_206 = arith.ori %or3A_204, %or3A_205 : i1
        %ge3A_207 = arith.constant 199 : i32
        %ge3A_208 = arith.cmpi sge, %scan3A_151, %ge3A_207 : i32
        %not3A_209 = arith.constant true
        %not3A_210 = arith.xori %ge3A_208, %not3A_209 : i1
        %and3A_211 = arith.andi %or3A_206, %not3A_210 : i1
        %ne3A_212 = arith.cmpi ne, %add3A_163, %add3A_181 : i32
        %or3A_213 = arith.constant false
        %or3A_214 = arith.ori %or3A_213, %ne3A_212 : i1
        %or3A_215 = arith.constant false
        %or3A_216 = arith.ori %or3A_214, %or3A_215 : i1
        %or3A_217 = arith.constant false
        %or3A_218 = arith.ori %or3A_216, %or3A_217 : i1
        %ge3A_219 = arith.constant 199 : i32
        %ge3A_220 = arith.cmpi sge, %scan3A_151, %ge3A_219 : i32
        %not3A_221 = arith.constant true
        %not3A_222 = arith.xori %ge3A_220, %not3A_221 : i1
        %and3A_223 = arith.andi %or3A_218, %not3A_222 : i1
        %ne3A_224 = arith.cmpi ne, %add3A_163, %add3A_172 : i32
        %or3A_225 = arith.constant false
        %or3A_226 = arith.ori %or3A_225, %ne3A_224 : i1
        %or3A_227 = arith.ori %or3A_226, %eq3A_160 : i1
        %convert_element_type3A_228 = arith.extui %or3A_227 : i1 to i32
        %cond3A_229 = arith.constant 0 : i32
        %cond3A_230 = arith.cmpi ne, %convert_element_type3A_228, %cond3A_229 : i32
        scf.if %cond3A_230 {
          "tpu.trace_start"() <{level = 10 : i32, message = "ep_wait_in"}> : () -> ()
          %mul3A_446 = arith.constant 128 : i32
          %mul3A_447 = arith.muli %mul3A_446, %add3A_163 : i32
          %rem3A_448 = arith.constant 2 : i32
          %rem3A_449 = arith.remui %scan3A_153, %rem3A_448 : i32
          %dma_wait3A_450 = arith.constant 0 : i32
          %dma_wait3A_451 = arith.constant 0 : i32
          %dma_wait3A_452 = tpu.memref_slice %run_scoped3A[%rem3A_449, %dma_wait3A_450, %dma_wait3A_451] : memref<2x1x128xi32, #tpu.memory_space<vmem>> -> memref<1x1x128xi32, #tpu.memory_space<vmem>>
          %dma_wait3A_453 = tpu.memref_squeeze %dma_wait3A_452 : memref<1x1x128xi32, #tpu.memory_space<vmem>> -> memref<1x128xi32, #tpu.memory_space<vmem>>
          %dma_wait3A_454 = arith.constant 0 : i32
          %dma_wait3A_455 = tpu.memref_slice %arg4[%dma_wait3A_454, %mul3A_447] : memref<1x819200xi32, #tpu.memory_space<hbm>> -> memref<1x128xi32, #tpu.memory_space<hbm>>
          %dma_wait3A_456 = tpu.memref_slice %run_scoped3A_7[%rem3A_449] : memref<2x!tpu.dma_semaphore, #tpu.memory_space<semaphore_mem>> -> memref<1x!tpu.dma_semaphore, #tpu.memory_space<semaphore_mem>>
          %dma_wait3A_457 = tpu.memref_squeeze %dma_wait3A_456 : memref<1x!tpu.dma_semaphore, #tpu.memory_space<semaphore_mem>> -> memref<!tpu.dma_semaphore, #tpu.memory_space<semaphore_mem>>
          %dma_wait3A_458 = arith.constant 0 : i32
          %dma_wait3A_459 = arith.constant 0 : i32
          %dma_wait3A_460 = tpu.memref_slice %run_scoped3A[%rem3A_449, %dma_wait3A_458, %dma_wait3A_459] : memref<2x1x128xi32, #tpu.memory_space<vmem>> -> memref<1x1x128xi32, #tpu.memory_space<vmem>>
          %dma_wait3A_461 = tpu.memref_squeeze %dma_wait3A_460 : memref<1x1x128xi32, #tpu.memory_space<vmem>> -> memref<1x128xi32, #tpu.memory_space<vmem>>
          %dma_wait3A_462 = arith.constant 0 : i32
          %dma_wait3A_463 = tpu.memref_slice %arg4[%dma_wait3A_462, %mul3A_447] : memref<1x819200xi32, #tpu.memory_space<hbm>> -> memref<1x128xi32, #tpu.memory_space<hbm>>
          tpu.wait_dma2 semaphore(%dma_wait3A_457 : memref<!tpu.dma_semaphore, #tpu.memory_space<semaphore_mem>>) src(%dma_wait3A_463 : memref<1x128xi32, #tpu.memory_space<hbm>>) dst(%dma_wait3A_461 : memref<1x128xi32, #tpu.memory_space<vmem>>)
          "tpu.trace_stop"() : () -> ()
        } else {
        }
        %ne3A_231 = arith.cmpi ne, %add3A_163, %add3A_172 : i32
        %or3A_232 = arith.constant false
        %or3A_233 = arith.ori %or3A_232, %ne3A_231 : i1
        %or3A_234 = arith.constant false
        %or3A_235 = arith.ori %or3A_233, %or3A_234 : i1
        %or3A_236 = arith.constant false
        %or3A_237 = arith.ori %or3A_235, %or3A_236 : i1
        %or3A_238 = arith.ori %or3A_237, %eq3A_160 : i1
        %convert_element_type3A_239 = arith.extui %or3A_238 : i1 to i32
        %cond3A_240 = arith.constant 0 : i32
        %cond3A_241 = arith.cmpi ne, %convert_element_type3A_239, %cond3A_240 : i32
        scf.if %cond3A_241 {
        } else {
        }
        %ne3A_242 = arith.cmpi ne, %add3A_163, %add3A_172 : i32
        %or3A_243 = arith.constant false
        %or3A_244 = arith.ori %or3A_243, %ne3A_242 : i1
        %or3A_245 = arith.constant false
        %or3A_246 = arith.ori %or3A_244, %or3A_245 : i1
        %or3A_247 = arith.constant false
        %or3A_248 = arith.ori %or3A_246, %or3A_247 : i1
        %or3A_249 = arith.ori %or3A_248, %eq3A_160 : i1
        %convert_element_type3A_250 = arith.extui %or3A_249 : i1 to i32
        %cond3A_251 = arith.constant 0 : i32
        %cond3A_252 = arith.cmpi ne, %convert_element_type3A_250, %cond3A_251 : i32
        scf.if %cond3A_252 {
        } else {
        }
        %rem3A_253 = arith.constant 2 : i32
        %rem3A_254 = arith.remui %scan3A_153, %rem3A_253 : i32
        %rem3A_255 = arith.constant 2 : i32
        %rem3A_256 = arith.remui %scan3A_154, %rem3A_255 : i32
        %rem3A_257 = arith.constant 2 : i32
        %rem3A_258 = arith.remui %scan3A_156, %rem3A_257 : i32
        %dma_start3A_259 = arith.constant 0 : i32
        %dma_start3A_260 = arith.constant 0 : i32
        "tpu.trace_start"() <{level = 10 : i32, message = "ep_run_kernel"}> : () -> ()
        %dma_start3A_261 = arith.constant 0 : i32
        %dma_start3A_262 = arith.constant 0 : i32
        %dma_start3A_263 = arith.constant 0 : i32
        %dma_start3A_264 = tpu.memref_slice %run_scoped3A_8[%rem3A_256, %dma_start3A_261, %dma_start3A_262, %dma_start3A_263] : memref<2x1x128x32xf32, #tpu.memory_space<vmem>> -> memref<1x1x128x32xf32, #tpu.memory_space<vmem>>
        %dma_start3A_265 = tpu.memref_squeeze %dma_start3A_264 : memref<1x1x128x32xf32, #tpu.memory_space<vmem>> -> memref<1x128x32xf32, #tpu.memory_space<vmem>>
        %dma_start3A_266 = arith.constant 0 : i32
        %dma_start3A_267 = arith.constant 0 : i32
        %dma_start3A_268 = tpu.memref_slice %dma_start3A_265[%dma_start3A_260, %dma_start3A_266, %dma_start3A_267] : memref<1x128x32xf32, #tpu.memory_space<vmem>> -> memref<1x128x32xf32, #tpu.memory_space<vmem>>
        %dma_start3A_269 = tpu.memref_squeeze %dma_start3A_268 : memref<1x128x32xf32, #tpu.memory_space<vmem>> -> memref<128x32xf32, #tpu.memory_space<vmem>>
        %dma_start3A_270 = arith.constant 0 : i32
        %dma_start3A_271 = arith.constant 0 : i32
        %dma_start3A_272 = tpu.memref_slice %run_scoped3A[%rem3A_254, %dma_start3A_270, %dma_start3A_271] : memref<2x1x128xi32, #tpu.memory_space<vmem>> -> memref<1x1x128xi32, #tpu.memory_space<vmem>>
        %dma_start3A_273 = tpu.memref_squeeze %dma_start3A_272 : memref<1x1x128xi32, #tpu.memory_space<vmem>> -> memref<1x128xi32, #tpu.memory_space<vmem>>
        %dma_start3A_274 = arith.constant 0 : i32
        %dma_start3A_275 = tpu.memref_slice %dma_start3A_273[%dma_start3A_259, %dma_start3A_274] : memref<1x128xi32, #tpu.memory_space<vmem>> -> memref<1x128xi32, #tpu.memory_space<vmem>>
        %dma_start3A_276 = tpu.memref_squeeze %dma_start3A_275 : memref<1x128xi32, #tpu.memory_space<vmem>> -> memref<128xi32, #tpu.memory_space<vmem>>
        %dma_start3A_277 = arith.constant 0 : i32
        %dma_start3A_278 = arith.constant 0 : i32
        %dma_start3A_279 = tpu.memref_slice %arg2[%dma_start3A_277, %dma_start3A_278] : memref<1000000x32xf32, #tpu.memory_space<hbm>> -> memref<1000000x32xf32, #tpu.memory_space<hbm>>
        tpu.enqueue_indirect_dma source(%dma_start3A_279 : memref<1000000x32xf32, #tpu.memory_space<hbm>>) target(%dma_start3A_269 : memref<128x32xf32, #tpu.memory_space<vmem>>) offsets(%dma_start3A_276 : memref<128xi32, #tpu.memory_space<vmem>>) semaphore(%arg7 : memref<!tpu.dma_semaphore, #tpu.memory_space<semaphore_mem>>)
        %dma_start3A_280 = arith.constant 0 : i32
        %dma_start3A_281 = arith.constant 0 : i32
        %dma_start3A_282 = arith.constant 0 : i32
        %dma_start3A_283 = arith.constant 0 : i32
        %dma_start3A_284 = arith.constant 0 : i32
        %dma_start3A_285 = tpu.memref_slice %run_scoped3A_10[%rem3A_258, %dma_start3A_282, %dma_start3A_283, %dma_start3A_284] : memref<2x1x128x32xf32, #tpu.memory_space<vmem>> -> memref<1x1x128x32xf32, #tpu.memory_space<vmem>>
        %dma_start3A_286 = tpu.memref_squeeze %dma_start3A_285 : memref<1x1x128x32xf32, #tpu.memory_space<vmem>> -> memref<1x128x32xf32, #tpu.memory_space<vmem>>
        %dma_start3A_287 = arith.constant 0 : i32
        %dma_start3A_288 = arith.constant 0 : i32
        %dma_start3A_289 = tpu.memref_slice %dma_start3A_286[%dma_start3A_281, %dma_start3A_287, %dma_start3A_288] : memref<1x128x32xf32, #tpu.memory_space<vmem>> -> memref<1x128x32xf32, #tpu.memory_space<vmem>>
        %dma_start3A_290 = tpu.memref_squeeze %dma_start3A_289 : memref<1x128x32xf32, #tpu.memory_space<vmem>> -> memref<128x32xf32, #tpu.memory_space<vmem>>
        %dma_start3A_291 = arith.constant 0 : i32
        %dma_start3A_292 = arith.constant 0 : i32
        %dma_start3A_293 = tpu.memref_slice %run_scoped3A[%rem3A_254, %dma_start3A_291, %dma_start3A_292] : memref<2x1x128xi32, #tpu.memory_space<vmem>> -> memref<1x1x128xi32, #tpu.memory_space<vmem>>
        %dma_start3A_294 = tpu.memref_squeeze %dma_start3A_293 : memref<1x1x128xi32, #tpu.memory_space<vmem>> -> memref<1x128xi32, #tpu.memory_space<vmem>>
        %dma_start3A_295 = arith.constant 0 : i32
        %dma_start3A_296 = tpu.memref_slice %dma_start3A_294[%dma_start3A_280, %dma_start3A_295] : memref<1x128xi32, #tpu.memory_space<vmem>> -> memref<1x128xi32, #tpu.memory_space<vmem>>
        %dma_start3A_297 = tpu.memref_squeeze %dma_start3A_296 : memref<1x128xi32, #tpu.memory_space<vmem>> -> memref<128xi32, #tpu.memory_space<vmem>>
        %dma_start3A_298 = arith.constant 0 : i32
        %dma_start3A_299 = arith.constant 0 : i32
        %dma_start3A_300 = tpu.memref_slice %arg3[%dma_start3A_298, %dma_start3A_299] : memref<1000000x32xf32, #tpu.memory_space<hbm>> -> memref<1000000x32xf32, #tpu.memory_space<hbm>>
        tpu.enqueue_indirect_dma source(%dma_start3A_300 : memref<1000000x32xf32, #tpu.memory_space<hbm>>) target(%dma_start3A_290 : memref<128x32xf32, #tpu.memory_space<vmem>>) offsets(%dma_start3A_297 : memref<128xi32, #tpu.memory_space<vmem>>) semaphore(%arg8 : memref<!tpu.dma_semaphore, #tpu.memory_space<semaphore_mem>>)
        %dma_wait3A_301 = arith.constant 0 : i32
        %dma_wait3A_302 = arith.constant 0 : i32
        %dma_wait3A_303 = arith.constant 0 : i32
        %dma_wait3A_304 = arith.constant 0 : i32
        %dma_wait3A_305 = arith.constant 0 : i32
        %dma_wait3A_306 = tpu.memref_slice %run_scoped3A_8[%rem3A_256, %dma_wait3A_303, %dma_wait3A_304, %dma_wait3A_305] : memref<2x1x128x32xf32, #tpu.memory_space<vmem>> -> memref<1x1x128x32xf32, #tpu.memory_space<vmem>>
        %dma_wait3A_307 = tpu.memref_squeeze %dma_wait3A_306 : memref<1x1x128x32xf32, #tpu.memory_space<vmem>> -> memref<1x128x32xf32, #tpu.memory_space<vmem>>
        %dma_wait3A_308 = arith.constant 0 : i32
        %dma_wait3A_309 = arith.constant 0 : i32
        %dma_wait3A_310 = tpu.memref_slice %dma_wait3A_307[%dma_wait3A_302, %dma_wait3A_308, %dma_wait3A_309] : memref<1x128x32xf32, #tpu.memory_space<vmem>> -> memref<1x128x32xf32, #tpu.memory_space<vmem>>
        %dma_wait3A_311 = tpu.memref_squeeze %dma_wait3A_310 : memref<1x128x32xf32, #tpu.memory_space<vmem>> -> memref<128x32xf32, #tpu.memory_space<vmem>>
        %dma_wait3A_312 = arith.constant 0 : i32
        %dma_wait3A_313 = arith.constant 0 : i32
        %dma_wait3A_314 = tpu.memref_slice %run_scoped3A[%rem3A_254, %dma_wait3A_312, %dma_wait3A_313] : memref<2x1x128xi32, #tpu.memory_space<vmem>> -> memref<1x1x128xi32, #tpu.memory_space<vmem>>
        %dma_wait3A_315 = tpu.memref_squeeze %dma_wait3A_314 : memref<1x1x128xi32, #tpu.memory_space<vmem>> -> memref<1x128xi32, #tpu.memory_space<vmem>>
        %dma_wait3A_316 = arith.constant 0 : i32
        %dma_wait3A_317 = tpu.memref_slice %dma_wait3A_315[%dma_wait3A_301, %dma_wait3A_316] : memref<1x128xi32, #tpu.memory_space<vmem>> -> memref<1x128xi32, #tpu.memory_space<vmem>>
        %dma_wait3A_318 = tpu.memref_squeeze %dma_wait3A_317 : memref<1x128xi32, #tpu.memory_space<vmem>> -> memref<128xi32, #tpu.memory_space<vmem>>
        %dma_wait3A_319 = arith.constant 0 : i32
        %dma_wait3A_320 = arith.constant 0 : i32
        %dma_wait3A_321 = tpu.memref_slice %arg2[%dma_wait3A_319, %dma_wait3A_320] : memref<1000000x32xf32, #tpu.memory_space<hbm>> -> memref<1000000x32xf32, #tpu.memory_space<hbm>>
        tpu.wait_indirect_dma semaphore(%arg7 : memref<!tpu.dma_semaphore, #tpu.memory_space<semaphore_mem>>) src(%dma_wait3A_321 : memref<1000000x32xf32, #tpu.memory_space<hbm>>) dst(%dma_wait3A_311 : memref<128x32xf32, #tpu.memory_space<vmem>>)
        %dma_wait3A_322 = arith.constant 0 : i32
        %dma_wait3A_323 = arith.constant 0 : i32
        %dma_wait3A_324 = arith.constant 0 : i32
        %dma_wait3A_325 = arith.constant 0 : i32
        %dma_wait3A_326 = arith.constant 0 : i32
        %dma_wait3A_327 = tpu.memref_slice %run_scoped3A_10[%rem3A_258, %dma_wait3A_324, %dma_wait3A_325, %dma_wait3A_326] : memref<2x1x128x32xf32, #tpu.memory_space<vmem>> -> memref<1x1x128x32xf32, #tpu.memory_space<vmem>>
        %dma_wait3A_328 = tpu.memref_squeeze %dma_wait3A_327 : memref<1x1x128x32xf32, #tpu.memory_space<vmem>> -> memref<1x128x32xf32, #tpu.memory_space<vmem>>
        %dma_wait3A_329 = arith.constant 0 : i32
        %dma_wait3A_330 = arith.constant 0 : i32
        %dma_wait3A_331 = tpu.memref_slice %dma_wait3A_328[%dma_wait3A_323, %dma_wait3A_329, %dma_wait3A_330] : memref<1x128x32xf32, #tpu.memory_space<vmem>> -> memref<1x128x32xf32, #tpu.memory_space<vmem>>
        %dma_wait3A_332 = tpu.memref_squeeze %dma_wait3A_331 : memref<1x128x32xf32, #tpu.memory_space<vmem>> -> memref<128x32xf32, #tpu.memory_space<vmem>>
        %dma_wait3A_333 = arith.constant 0 : i32
        %dma_wait3A_334 = arith.constant 0 : i32
        %dma_wait3A_335 = tpu.memref_slice %run_scoped3A[%rem3A_254, %dma_wait3A_333, %dma_wait3A_334] : memref<2x1x128xi32, #tpu.memory_space<vmem>> -> memref<1x1x128xi32, #tpu.memory_space<vmem>>
        %dma_wait3A_336 = tpu.memref_squeeze %dma_wait3A_335 : memref<1x1x128xi32, #tpu.memory_space<vmem>> -> memref<1x128xi32, #tpu.memory_space<vmem>>
        %dma_wait3A_337 = arith.constant 0 : i32
        %dma_wait3A_338 = tpu.memref_slice %dma_wait3A_336[%dma_wait3A_322, %dma_wait3A_337] : memref<1x128xi32, #tpu.memory_space<vmem>> -> memref<1x128xi32, #tpu.memory_space<vmem>>
        %dma_wait3A_339 = tpu.memref_squeeze %dma_wait3A_338 : memref<1x128xi32, #tpu.memory_space<vmem>> -> memref<128xi32, #tpu.memory_space<vmem>>
        %dma_wait3A_340 = arith.constant 0 : i32
        %dma_wait3A_341 = arith.constant 0 : i32
        %dma_wait3A_342 = tpu.memref_slice %arg3[%dma_wait3A_340, %dma_wait3A_341] : memref<1000000x32xf32, #tpu.memory_space<hbm>> -> memref<1000000x32xf32, #tpu.memory_space<hbm>>
        tpu.wait_indirect_dma semaphore(%arg8 : memref<!tpu.dma_semaphore, #tpu.memory_space<semaphore_mem>>) src(%dma_wait3A_342 : memref<1000000x32xf32, #tpu.memory_space<hbm>>) dst(%dma_wait3A_332 : memref<128x32xf32, #tpu.memory_space<vmem>>)
        "tpu.trace_stop"() : () -> ()
        %ne3A_343 = arith.cmpi ne, %add3A_163, %add3A_181 : i32
        %or3A_344 = arith.constant false
        %or3A_345 = arith.ori %or3A_344, %ne3A_343 : i1
        %or3A_346 = arith.ori %or3A_345, %eq3A_162 : i1
        %convert_element_type3A_347 = arith.extui %or3A_346 : i1 to i32
        %cond3A_348 = arith.constant 0 : i32
        %cond3A_349 = arith.cmpi ne, %convert_element_type3A_347, %cond3A_348 : i32
        scf.if %cond3A_349 {
        } else {
        }
        %and3A_350 = arith.constant false
        %and3A_351 = arith.andi %or3A_346, %and3A_350 : i1
        %ne3A_352 = arith.cmpi ne, %add3A_163, %add3A_181 : i32
        %or3A_353 = arith.constant false
        %or3A_354 = arith.ori %or3A_353, %ne3A_352 : i1
        %or3A_355 = arith.constant false
        %or3A_356 = arith.ori %or3A_354, %or3A_355 : i1
        %or3A_357 = arith.constant false
        %or3A_358 = arith.ori %or3A_356, %or3A_357 : i1
        %or3A_359 = arith.ori %or3A_358, %eq3A_162 : i1
        %convert_element_type3A_360 = arith.extui %or3A_359 : i1 to i32
        %cond3A_361 = arith.constant 0 : i32
        %cond3A_362 = arith.cmpi ne, %convert_element_type3A_360, %cond3A_361 : i32
        scf.if %cond3A_362 {
          "tpu.trace_start"() <{level = 10 : i32, message = "ep_copy_out"}> : () -> ()
          %rem3A_446 = arith.constant 2 : i32
          %rem3A_447 = arith.remui %scan3A_154, %rem3A_446 : i32
          %mul3A_448 = arith.constant 1 : i32
          %mul3A_449 = arith.muli %mul3A_448, %add3A_163 : i32
          %dma_start3A_450 = arith.constant 0 : i32
          %dma_start3A_451 = arith.constant 0 : i32
          %dma_start3A_452 = arith.constant 0 : i32
          %dma_start3A_453 = tpu.memref_slice %run_scoped3A_8[%rem3A_447, %dma_start3A_450, %dma_start3A_451, %dma_start3A_452] : memref<2x1x128x32xf32, #tpu.memory_space<vmem>> -> memref<1x1x128x32xf32, #tpu.memory_space<vmem>>
          %dma_start3A_454 = tpu.memref_squeeze %dma_start3A_453 : memref<1x1x128x32xf32, #tpu.memory_space<vmem>> -> memref<1x128x32xf32, #tpu.memory_space<vmem>>
          %dma_start3A_455 = arith.constant 0 : i32
          %dma_start3A_456 = arith.constant 0 : i32
          %dma_start3A_457 = tpu.memref_slice %arg5[%mul3A_449, %dma_start3A_455, %dma_start3A_456] : memref<6400x128x32xf32, #tpu.memory_space<hbm>> -> memref<1x128x32xf32, #tpu.memory_space<hbm>>
          %dma_start3A_458 = tpu.memref_slice %run_scoped3A_9[%rem3A_447] : memref<2x!tpu.dma_semaphore, #tpu.memory_space<semaphore_mem>> -> memref<1x!tpu.dma_semaphore, #tpu.memory_space<semaphore_mem>>
          %dma_start3A_459 = tpu.memref_squeeze %dma_start3A_458 : memref<1x!tpu.dma_semaphore, #tpu.memory_space<semaphore_mem>> -> memref<!tpu.dma_semaphore, #tpu.memory_space<semaphore_mem>>
          %dma_start3A_460 = arith.constant 0 : i32
          %dma_start3A_461 = arith.constant 0 : i32
          %dma_start3A_462 = tpu.memref_slice %arg5[%mul3A_449, %dma_start3A_460, %dma_start3A_461] : memref<6400x128x32xf32, #tpu.memory_space<hbm>> -> memref<1x128x32xf32, #tpu.memory_space<hbm>>
          %dma_start3A_463 = arith.constant 0 : i32
          %dma_start3A_464 = arith.constant 0 : i32
          %dma_start3A_465 = arith.constant 0 : i32
          %dma_start3A_466 = tpu.memref_slice %run_scoped3A_8[%rem3A_447, %dma_start3A_463, %dma_start3A_464, %dma_start3A_465] : memref<2x1x128x32xf32, #tpu.memory_space<vmem>> -> memref<1x1x128x32xf32, #tpu.memory_space<vmem>>
          %dma_start3A_467 = tpu.memref_squeeze %dma_start3A_466 : memref<1x1x128x32xf32, #tpu.memory_space<vmem>> -> memref<1x128x32xf32, #tpu.memory_space<vmem>>
          tpu.enqueue_dma source(%dma_start3A_467 : memref<1x128x32xf32, #tpu.memory_space<vmem>>) target(%dma_start3A_462 : memref<1x128x32xf32, #tpu.memory_space<hbm>>) target_semaphore(%dma_start3A_459 : memref<!tpu.dma_semaphore, #tpu.memory_space<semaphore_mem>>)
          "tpu.trace_stop"() : () -> ()
        } else {
        }
        %and3A_363 = arith.constant true
        %and3A_364 = arith.andi %or3A_359, %and3A_363 : i1
        %add3A_365 = arith.constant 1 : i32
        %add3A_366 = arith.addi %scan3A_154, %add3A_365 : i32
        %select_n3A_367 = arith.select %and3A_364, %add3A_366, %scan3A_154 : i32
        %ne3A_368 = arith.cmpi ne, %add3A_163, %add3A_181 : i32
        %or3A_369 = arith.constant false
        %or3A_370 = arith.ori %or3A_369, %ne3A_368 : i1
        %or3A_371 = arith.constant false
        %or3A_372 = arith.ori %or3A_370, %or3A_371 : i1
        %or3A_373 = arith.constant false
        %or3A_374 = arith.ori %or3A_372, %or3A_373 : i1
        %or3A_375 = arith.ori %or3A_374, %eq3A_162 : i1
        %convert_element_type3A_376 = arith.extui %or3A_375 : i1 to i32
        %cond3A_377 = arith.constant 0 : i32
        %cond3A_378 = arith.cmpi ne, %convert_element_type3A_376, %cond3A_377 : i32
        scf.if %cond3A_378 {
          "tpu.trace_start"() <{level = 10 : i32, message = "ep_copy_out"}> : () -> ()
          %rem3A_446 = arith.constant 2 : i32
          %rem3A_447 = arith.remui %scan3A_156, %rem3A_446 : i32
          %mul3A_448 = arith.constant 1 : i32
          %mul3A_449 = arith.muli %mul3A_448, %add3A_163 : i32
          %dma_start3A_450 = arith.constant 0 : i32
          %dma_start3A_451 = arith.constant 0 : i32
          %dma_start3A_452 = arith.constant 0 : i32
          %dma_start3A_453 = tpu.memref_slice %run_scoped3A_10[%rem3A_447, %dma_start3A_450, %dma_start3A_451, %dma_start3A_452] : memref<2x1x128x32xf32, #tpu.memory_space<vmem>> -> memref<1x1x128x32xf32, #tpu.memory_space<vmem>>
          %dma_start3A_454 = tpu.memref_squeeze %dma_start3A_453 : memref<1x1x128x32xf32, #tpu.memory_space<vmem>> -> memref<1x128x32xf32, #tpu.memory_space<vmem>>
          %dma_start3A_455 = arith.constant 0 : i32
          %dma_start3A_456 = arith.constant 0 : i32
          %dma_start3A_457 = tpu.memref_slice %arg6[%mul3A_449, %dma_start3A_455, %dma_start3A_456] : memref<6400x128x32xf32, #tpu.memory_space<hbm>> -> memref<1x128x32xf32, #tpu.memory_space<hbm>>
          %dma_start3A_458 = tpu.memref_slice %run_scoped3A_11[%rem3A_447] : memref<2x!tpu.dma_semaphore, #tpu.memory_space<semaphore_mem>> -> memref<1x!tpu.dma_semaphore, #tpu.memory_space<semaphore_mem>>
          %dma_start3A_459 = tpu.memref_squeeze %dma_start3A_458 : memref<1x!tpu.dma_semaphore, #tpu.memory_space<semaphore_mem>> -> memref<!tpu.dma_semaphore, #tpu.memory_space<semaphore_mem>>
          %dma_start3A_460 = arith.constant 0 : i32
          %dma_start3A_461 = arith.constant 0 : i32
          %dma_start3A_462 = tpu.memref_slice %arg6[%mul3A_449, %dma_start3A_460, %dma_start3A_461] : memref<6400x128x32xf32, #tpu.memory_space<hbm>> -> memref<1x128x32xf32, #tpu.memory_space<hbm>>
          %dma_start3A_463 = arith.constant 0 : i32
          %dma_start3A_464 = arith.constant 0 : i32
          %dma_start3A_465 = arith.constant 0 : i32
          %dma_start3A_466 = tpu.memref_slice %run_scoped3A_10[%rem3A_447, %dma_start3A_463, %dma_start3A_464, %dma_start3A_465] : memref<2x1x128x32xf32, #tpu.memory_space<vmem>> -> memref<1x1x128x32xf32, #tpu.memory_space<vmem>>
          %dma_start3A_467 = tpu.memref_squeeze %dma_start3A_466 : memref<1x1x128x32xf32, #tpu.memory_space<vmem>> -> memref<1x128x32xf32, #tpu.memory_space<vmem>>
          tpu.enqueue_dma source(%dma_start3A_467 : memref<1x128x32xf32, #tpu.memory_space<vmem>>) target(%dma_start3A_462 : memref<1x128x32xf32, #tpu.memory_space<hbm>>) target_semaphore(%dma_start3A_459 : memref<!tpu.dma_semaphore, #tpu.memory_space<semaphore_mem>>)
          "tpu.trace_stop"() : () -> ()
        } else {
        }
        %and3A_379 = arith.constant true
        %and3A_380 = arith.andi %or3A_375, %and3A_379 : i1
        %add3A_381 = arith.constant 1 : i32
        %add3A_382 = arith.addi %scan3A_156, %add3A_381 : i32
        %select_n3A_383 = arith.select %and3A_380, %add3A_382, %scan3A_156 : i32
        %ne3A_384 = arith.cmpi ne, %add3A_163, %add3A_172 : i32
        %or3A_385 = arith.constant false
        %or3A_386 = arith.ori %or3A_385, %ne3A_384 : i1
        %not3A_387 = arith.constant true
        %not3A_388 = arith.xori %eq3A_160, %not3A_387 : i1
        %and3A_389 = arith.andi %or3A_386, %not3A_388 : i1
        %convert_element_type3A_390 = arith.extui %and3A_389 : i1 to i32
        %cond3A_391 = arith.constant 0 : i32
        %cond3A_392 = arith.cmpi ne, %convert_element_type3A_390, %cond3A_391 : i32
        scf.if %cond3A_392 {
        } else {
        }
        %and3A_393 = arith.constant false
        %and3A_394 = arith.andi %and3A_389, %and3A_393 : i1
        %ne3A_395 = arith.cmpi ne, %add3A_163, %add3A_172 : i32
        %or3A_396 = arith.constant false
        %or3A_397 = arith.ori %or3A_396, %ne3A_395 : i1
        %or3A_398 = arith.constant false
        %or3A_399 = arith.ori %or3A_397, %or3A_398 : i1
        %or3A_400 = arith.constant false
        %or3A_401 = arith.ori %or3A_399, %or3A_400 : i1
        %not3A_402 = arith.constant true
        %not3A_403 = arith.xori %eq3A_160, %not3A_402 : i1
        %and3A_404 = arith.andi %or3A_401, %not3A_403 : i1
        %convert_element_type3A_405 = arith.extui %and3A_404 : i1 to i32
        %cond3A_406 = arith.constant 0 : i32
        %cond3A_407 = arith.cmpi ne, %convert_element_type3A_405, %cond3A_406 : i32
        scf.if %cond3A_407 {
          "tpu.trace_start"() <{level = 10 : i32, message = "ep_wait_out"}> : () -> ()
          %rem3A_446 = arith.constant 2 : i32
          %rem3A_447 = arith.remui %scan3A_155, %rem3A_446 : i32
          %mul3A_448 = arith.constant 1 : i32
          %mul3A_449 = arith.muli %mul3A_448, %add3A_172 : i32
          %dma_wait3A_450 = arith.constant 0 : i32
          %dma_wait3A_451 = arith.constant 0 : i32
          %dma_wait3A_452 = arith.constant 0 : i32
          %dma_wait3A_453 = tpu.memref_slice %run_scoped3A_8[%rem3A_447, %dma_wait3A_450, %dma_wait3A_451, %dma_wait3A_452] : memref<2x1x128x32xf32, #tpu.memory_space<vmem>> -> memref<1x1x128x32xf32, #tpu.memory_space<vmem>>
          %dma_wait3A_454 = tpu.memref_squeeze %dma_wait3A_453 : memref<1x1x128x32xf32, #tpu.memory_space<vmem>> -> memref<1x128x32xf32, #tpu.memory_space<vmem>>
          %dma_wait3A_455 = arith.constant 0 : i32
          %dma_wait3A_456 = arith.constant 0 : i32
          %dma_wait3A_457 = tpu.memref_slice %arg5[%mul3A_449, %dma_wait3A_455, %dma_wait3A_456] : memref<6400x128x32xf32, #tpu.memory_space<hbm>> -> memref<1x128x32xf32, #tpu.memory_space<hbm>>
          %dma_wait3A_458 = tpu.memref_slice %run_scoped3A_9[%rem3A_447] : memref<2x!tpu.dma_semaphore, #tpu.memory_space<semaphore_mem>> -> memref<1x!tpu.dma_semaphore, #tpu.memory_space<semaphore_mem>>
          %dma_wait3A_459 = tpu.memref_squeeze %dma_wait3A_458 : memref<1x!tpu.dma_semaphore, #tpu.memory_space<semaphore_mem>> -> memref<!tpu.dma_semaphore, #tpu.memory_space<semaphore_mem>>
          %dma_wait3A_460 = arith.constant 0 : i32
          %dma_wait3A_461 = arith.constant 0 : i32
          %dma_wait3A_462 = tpu.memref_slice %arg5[%mul3A_449, %dma_wait3A_460, %dma_wait3A_461] : memref<6400x128x32xf32, #tpu.memory_space<hbm>> -> memref<1x128x32xf32, #tpu.memory_space<hbm>>
          %dma_wait3A_463 = arith.constant 0 : i32
          %dma_wait3A_464 = arith.constant 0 : i32
          %dma_wait3A_465 = arith.constant 0 : i32
          %dma_wait3A_466 = tpu.memref_slice %run_scoped3A_8[%rem3A_447, %dma_wait3A_463, %dma_wait3A_464, %dma_wait3A_465] : memref<2x1x128x32xf32, #tpu.memory_space<vmem>> -> memref<1x1x128x32xf32, #tpu.memory_space<vmem>>
          %dma_wait3A_467 = tpu.memref_squeeze %dma_wait3A_466 : memref<1x1x128x32xf32, #tpu.memory_space<vmem>> -> memref<1x128x32xf32, #tpu.memory_space<vmem>>
          tpu.wait_dma2 semaphore(%dma_wait3A_459 : memref<!tpu.dma_semaphore, #tpu.memory_space<semaphore_mem>>) src(%dma_wait3A_467 : memref<1x128x32xf32, #tpu.memory_space<vmem>>) dst(%dma_wait3A_462 : memref<1x128x32xf32, #tpu.memory_space<hbm>>)
          "tpu.trace_stop"() : () -> ()
        } else {
        }
        %and3A_408 = arith.constant true
        %and3A_409 = arith.andi %and3A_404, %and3A_408 : i1
        %add3A_410 = arith.constant 1 : i32
        %add3A_411 = arith.addi %scan3A_155, %add3A_410 : i32
        %select_n3A_412 = arith.select %and3A_409, %add3A_411, %scan3A_155 : i32
        %ne3A_413 = arith.cmpi ne, %add3A_163, %add3A_172 : i32
        %or3A_414 = arith.constant false
        %or3A_415 = arith.ori %or3A_414, %ne3A_413 : i1
        %or3A_416 = arith.constant false
        %or3A_417 = arith.ori %or3A_415, %or3A_416 : i1
        %or3A_418 = arith.constant false
        %or3A_419 = arith.ori %or3A_417, %or3A_418 : i1
        %not3A_420 = arith.constant true
        %not3A_421 = arith.xori %eq3A_160, %not3A_420 : i1
        %and3A_422 = arith.andi %or3A_419, %not3A_421 : i1
        %convert_element_type3A_423 = arith.extui %and3A_422 : i1 to i32
        %cond3A_424 = arith.constant 0 : i32
        %cond3A_425 = arith.cmpi ne, %convert_element_type3A_423, %cond3A_424 : i32
        scf.if %cond3A_425 {
          "tpu.trace_start"() <{level = 10 : i32, message = "ep_wait_out"}> : () -> ()
          %rem3A_446 = arith.constant 2 : i32
          %rem3A_447 = arith.remui %scan3A_157, %rem3A_446 : i32
          %mul3A_448 = arith.constant 1 : i32
          %mul3A_449 = arith.muli %mul3A_448, %add3A_172 : i32
          %dma_wait3A_450 = arith.constant 0 : i32
          %dma_wait3A_451 = arith.constant 0 : i32
          %dma_wait3A_452 = arith.constant 0 : i32
          %dma_wait3A_453 = tpu.memref_slice %run_scoped3A_10[%rem3A_447, %dma_wait3A_450, %dma_wait3A_451, %dma_wait3A_452] : memref<2x1x128x32xf32, #tpu.memory_space<vmem>> -> memref<1x1x128x32xf32, #tpu.memory_space<vmem>>
          %dma_wait3A_454 = tpu.memref_squeeze %dma_wait3A_453 : memref<1x1x128x32xf32, #tpu.memory_space<vmem>> -> memref<1x128x32xf32, #tpu.memory_space<vmem>>
          %dma_wait3A_455 = arith.constant 0 : i32
          %dma_wait3A_456 = arith.constant 0 : i32
          %dma_wait3A_457 = tpu.memref_slice %arg6[%mul3A_449, %dma_wait3A_455, %dma_wait3A_456] : memref<6400x128x32xf32, #tpu.memory_space<hbm>> -> memref<1x128x32xf32, #tpu.memory_space<hbm>>
          %dma_wait3A_458 = tpu.memref_slice %run_scoped3A_11[%rem3A_447] : memref<2x!tpu.dma_semaphore, #tpu.memory_space<semaphore_mem>> -> memref<1x!tpu.dma_semaphore, #tpu.memory_space<semaphore_mem>>
          %dma_wait3A_459 = tpu.memref_squeeze %dma_wait3A_458 : memref<1x!tpu.dma_semaphore, #tpu.memory_space<semaphore_mem>> -> memref<!tpu.dma_semaphore, #tpu.memory_space<semaphore_mem>>
          %dma_wait3A_460 = arith.constant 0 : i32
          %dma_wait3A_461 = arith.constant 0 : i32
          %dma_wait3A_462 = tpu.memref_slice %arg6[%mul3A_449, %dma_wait3A_460, %dma_wait3A_461] : memref<6400x128x32xf32, #tpu.memory_space<hbm>> -> memref<1x128x32xf32, #tpu.memory_space<hbm>>
          %dma_wait3A_463 = arith.constant 0 : i32
          %dma_wait3A_464 = arith.constant 0 : i32
          %dma_wait3A_465 = arith.constant 0 : i32
          %dma_wait3A_466 = tpu.memref_slice %run_scoped3A_10[%rem3A_447, %dma_wait3A_463, %dma_wait3A_464, %dma_wait3A_465] : memref<2x1x128x32xf32, #tpu.memory_space<vmem>> -> memref<1x1x128x32xf32, #tpu.memory_space<vmem>>
          %dma_wait3A_467 = tpu.memref_squeeze %dma_wait3A_466 : memref<1x1x128x32xf32, #tpu.memory_space<vmem>> -> memref<1x128x32xf32, #tpu.memory_space<vmem>>
          tpu.wait_dma2 semaphore(%dma_wait3A_459 : memref<!tpu.dma_semaphore, #tpu.memory_space<semaphore_mem>>) src(%dma_wait3A_467 : memref<1x128x32xf32, #tpu.memory_space<vmem>>) dst(%dma_wait3A_462 : memref<1x128x32xf32, #tpu.memory_space<hbm>>)
          "tpu.trace_stop"() : () -> ()
        } else {
        }
        %and3A_426 = arith.constant true
        %and3A_427 = arith.andi %and3A_422, %and3A_426 : i1
        %add3A_428 = arith.constant 1 : i32
        %add3A_429 = arith.addi %scan3A_157, %add3A_428 : i32
        %select_n3A_430 = arith.select %and3A_427, %add3A_429, %scan3A_157 : i32
        %ne3A_431 = arith.cmpi ne, %add3A_163, %add3A_181 : i32
        %or3A_432 = arith.constant false
        %or3A_433 = arith.ori %or3A_432, %ne3A_431 : i1
        %or3A_434 = arith.ori %or3A_433, %eq3A_162 : i1
        %add3A_435 = arith.constant 1 : i32
        %add3A_436 = arith.addi %scan3A_153, %add3A_435 : i32
        %select_n3A_437 = arith.select %or3A_434, %add3A_436, %scan3A_153 : i32
        %add3A_438 = arith.constant 1 : i32
        %add3A_439 = arith.addi %scan3A_158, %add3A_438 : i32
        %select_n3A_440 = arith.constant true
        %select_n3A_441 = arith.select %select_n3A_440, %add3A_439, %scan3A_158 : i32
        %eq3A_442 = arith.constant 200 : i32
        %eq3A_443 = arith.cmpi eq, %select_n3A_441, %eq3A_442 : i32
        %select_n3A_444 = arith.constant 0 : i32
        %select_n3A_445 = arith.select %eq3A_443, %select_n3A_444, %select_n3A_441 : i32
        scf.yield %select_n3A_199, %select_n3A_437, %select_n3A_367, %select_n3A_412, %select_n3A_383, %select_n3A_430, %select_n3A_445 : i32, i32, i32, i32, i32, i32, i32
      }
      %scan3A_72 = arith.constant 200 : i32
      %sub3A = arith.constant 1 : i32
      %sub3A_73 = arith.subi %scan3A_71#6, %sub3A : i32
      %select_n3A_74 = arith.constant true
      %select_n3A_75 = arith.select %select_n3A_74, %sub3A_73, %scan3A_71#6 : i32
      %eq3A_76 = arith.constant -1 : i32
      %eq3A_77 = arith.cmpi eq, %select_n3A_75, %eq3A_76 : i32
      %select_n3A_78 = arith.constant 199 : i32
      %select_n3A_79 = arith.select %eq3A_77, %select_n3A_78, %select_n3A_75 : i32
      %add3A_80 = arith.addi %select_n3A_79, %mul3A_6 : i32
      %sub3A_81 = arith.constant 1 : i32
      %sub3A_82 = arith.subi %select_n3A_79, %sub3A_81 : i32
      %select_n3A_83 = arith.constant true
      %select_n3A_84 = arith.select %select_n3A_83, %sub3A_82, %select_n3A_79 : i32
      %eq3A_85 = arith.constant -1 : i32
      %eq3A_86 = arith.cmpi eq, %select_n3A_84, %eq3A_85 : i32
      %select_n3A_87 = arith.constant 199 : i32
      %select_n3A_88 = arith.select %eq3A_86, %select_n3A_87, %select_n3A_84 : i32
      %add3A_89 = arith.addi %select_n3A_88, %mul3A_6 : i32
      %add3A_90 = arith.constant 1 : i32
      %add3A_91 = arith.addi %select_n3A_79, %add3A_90 : i32
      %select_n3A_92 = arith.constant true
      %select_n3A_93 = arith.select %select_n3A_92, %add3A_91, %select_n3A_79 : i32
      %eq3A_94 = arith.constant 200 : i32
      %eq3A_95 = arith.cmpi eq, %select_n3A_93, %eq3A_94 : i32
      %select_n3A_96 = arith.constant 0 : i32
      %select_n3A_97 = arith.select %eq3A_95, %select_n3A_96, %select_n3A_93 : i32
      %add3A_98 = arith.addi %select_n3A_97, %mul3A_6 : i32
      %add3A_99 = arith.constant 1 : i32
      %add3A_100 = arith.addi %select_n3A_97, %add3A_99 : i32
      %select_n3A_101 = arith.constant true
      %select_n3A_102 = arith.select %select_n3A_101, %add3A_100, %select_n3A_97 : i32
      %eq3A_103 = arith.constant 200 : i32
      %eq3A_104 = arith.cmpi eq, %select_n3A_102, %eq3A_103 : i32
      %select_n3A_105 = arith.constant 0 : i32
      %select_n3A_106 = arith.select %eq3A_104, %select_n3A_105, %select_n3A_102 : i32
      %add3A_107 = arith.addi %select_n3A_106, %mul3A_6 : i32
      "tpu.trace_start"() <{level = 10 : i32, message = "ep_finalize"}> : () -> ()
      %rem3A_108 = arith.constant 2 : i32
      %rem3A_109 = arith.remui %scan3A_71#3, %rem3A_108 : i32
      %mul3A_110 = arith.constant 1 : i32
      %mul3A_111 = arith.muli %mul3A_110, %add3A_80 : i32
      %dma_wait3A = arith.constant 0 : i32
      %dma_wait3A_112 = arith.constant 0 : i32
      %dma_wait3A_113 = arith.constant 0 : i32
      %dma_wait3A_114 = tpu.memref_slice %run_scoped3A_8[%rem3A_109, %dma_wait3A, %dma_wait3A_112, %dma_wait3A_113] : memref<2x1x128x32xf32, #tpu.memory_space<vmem>> -> memref<1x1x128x32xf32, #tpu.memory_space<vmem>>
      %dma_wait3A_115 = tpu.memref_squeeze %dma_wait3A_114 : memref<1x1x128x32xf32, #tpu.memory_space<vmem>> -> memref<1x128x32xf32, #tpu.memory_space<vmem>>
      %dma_wait3A_116 = arith.constant 0 : i32
      %dma_wait3A_117 = arith.constant 0 : i32
      %dma_wait3A_118 = tpu.memref_slice %arg5[%mul3A_111, %dma_wait3A_116, %dma_wait3A_117] : memref<6400x128x32xf32, #tpu.memory_space<hbm>> -> memref<1x128x32xf32, #tpu.memory_space<hbm>>
      %dma_wait3A_119 = tpu.memref_slice %run_scoped3A_9[%rem3A_109] : memref<2x!tpu.dma_semaphore, #tpu.memory_space<semaphore_mem>> -> memref<1x!tpu.dma_semaphore, #tpu.memory_space<semaphore_mem>>
      %dma_wait3A_120 = tpu.memref_squeeze %dma_wait3A_119 : memref<1x!tpu.dma_semaphore, #tpu.memory_space<semaphore_mem>> -> memref<!tpu.dma_semaphore, #tpu.memory_space<semaphore_mem>>
      %dma_wait3A_121 = arith.constant 0 : i32
      %dma_wait3A_122 = arith.constant 0 : i32
      %dma_wait3A_123 = tpu.memref_slice %arg5[%mul3A_111, %dma_wait3A_121, %dma_wait3A_122] : memref<6400x128x32xf32, #tpu.memory_space<hbm>> -> memref<1x128x32xf32, #tpu.memory_space<hbm>>
      %dma_wait3A_124 = arith.constant 0 : i32
      %dma_wait3A_125 = arith.constant 0 : i32
      %dma_wait3A_126 = arith.constant 0 : i32
      %dma_wait3A_127 = tpu.memref_slice %run_scoped3A_8[%rem3A_109, %dma_wait3A_124, %dma_wait3A_125, %dma_wait3A_126] : memref<2x1x128x32xf32, #tpu.memory_space<vmem>> -> memref<1x1x128x32xf32, #tpu.memory_space<vmem>>
      %dma_wait3A_128 = tpu.memref_squeeze %dma_wait3A_127 : memref<1x1x128x32xf32, #tpu.memory_space<vmem>> -> memref<1x128x32xf32, #tpu.memory_space<vmem>>
      tpu.wait_dma2 semaphore(%dma_wait3A_120 : memref<!tpu.dma_semaphore, #tpu.memory_space<semaphore_mem>>) src(%dma_wait3A_128 : memref<1x128x32xf32, #tpu.memory_space<vmem>>) dst(%dma_wait3A_123 : memref<1x128x32xf32, #tpu.memory_space<hbm>>)
      %rem3A_129 = arith.constant 2 : i32
      %rem3A_130 = arith.remui %scan3A_71#5, %rem3A_129 : i32
      %mul3A_131 = arith.constant 1 : i32
      %mul3A_132 = arith.muli %mul3A_131, %add3A_80 : i32
      %dma_wait3A_133 = arith.constant 0 : i32
      %dma_wait3A_134 = arith.constant 0 : i32
      %dma_wait3A_135 = arith.constant 0 : i32
      %dma_wait3A_136 = tpu.memref_slice %run_scoped3A_10[%rem3A_130, %dma_wait3A_133, %dma_wait3A_134, %dma_wait3A_135] : memref<2x1x128x32xf32, #tpu.memory_space<vmem>> -> memref<1x1x128x32xf32, #tpu.memory_space<vmem>>
      %dma_wait3A_137 = tpu.memref_squeeze %dma_wait3A_136 : memref<1x1x128x32xf32, #tpu.memory_space<vmem>> -> memref<1x128x32xf32, #tpu.memory_space<vmem>>
      %dma_wait3A_138 = arith.constant 0 : i32
      %dma_wait3A_139 = arith.constant 0 : i32
      %dma_wait3A_140 = tpu.memref_slice %arg6[%mul3A_132, %dma_wait3A_138, %dma_wait3A_139] : memref<6400x128x32xf32, #tpu.memory_space<hbm>> -> memref<1x128x32xf32, #tpu.memory_space<hbm>>
      %dma_wait3A_141 = tpu.memref_slice %run_scoped3A_11[%rem3A_130] : memref<2x!tpu.dma_semaphore, #tpu.memory_space<semaphore_mem>> -> memref<1x!tpu.dma_semaphore, #tpu.memory_space<semaphore_mem>>
      %dma_wait3A_142 = tpu.memref_squeeze %dma_wait3A_141 : memref<1x!tpu.dma_semaphore, #tpu.memory_space<semaphore_mem>> -> memref<!tpu.dma_semaphore, #tpu.memory_space<semaphore_mem>>
      %dma_wait3A_143 = arith.constant 0 : i32
      %dma_wait3A_144 = arith.constant 0 : i32
      %dma_wait3A_145 = tpu.memref_slice %arg6[%mul3A_132, %dma_wait3A_143, %dma_wait3A_144] : memref<6400x128x32xf32, #tpu.memory_space<hbm>> -> memref<1x128x32xf32, #tpu.memory_space<hbm>>
      %dma_wait3A_146 = arith.constant 0 : i32
      %dma_wait3A_147 = arith.constant 0 : i32
      %dma_wait3A_148 = arith.constant 0 : i32
      %dma_wait3A_149 = tpu.memref_slice %run_scoped3A_10[%rem3A_130, %dma_wait3A_146, %dma_wait3A_147, %dma_wait3A_148] : memref<2x1x128x32xf32, #tpu.memory_space<vmem>> -> memref<1x1x128x32xf32, #tpu.memory_space<vmem>>
      %dma_wait3A_150 = tpu.memref_squeeze %dma_wait3A_149 : memref<1x1x128x32xf32, #tpu.memory_space<vmem>> -> memref<1x128x32xf32, #tpu.memory_space<vmem>>
      tpu.wait_dma2 semaphore(%dma_wait3A_142 : memref<!tpu.dma_semaphore, #tpu.memory_space<semaphore_mem>>) src(%dma_wait3A_150 : memref<1x128x32xf32, #tpu.memory_space<vmem>>) dst(%dma_wait3A_145 : memref<1x128x32xf32, #tpu.memory_space<hbm>>)
      "tpu.trace_stop"() : () -> ()
      tpu.yield
    }) : () -> ()
    return
  }
}

module attributes {stable_mosaic.version = 14 : i64} {
  func.func @body(%arg0: i32, %arg1: memref<256x1600xf32, #tpu.memory_space<vmem>>, %arg2: memref<256x1600xf32, #tpu.memory_space<vmem>>, %arg3: memref<50x32x256xf32, #tpu.memory_space<vmem>>, %arg4: memref<50x32x256xf32, #tpu.memory_space<vmem>>) attributes {dimension_semantics = [#tpu.dimension_semantics<arbitrary>], iteration_bounds = array<i64: 64>, scalar_prefetch = 0 : i64, scratch_operands = 0 : i64, tpu.core_type = #tpu.core_type<tc>, window_params = [{transform_indices = @transform_0, window_bounds = array<i64: 256, 1600>}, {transform_indices = @transform_1, window_bounds = array<i64: 256, 1600>}, {transform_indices = @transform_2, window_bounds = array<i64: 50, 32, 256>}, {transform_indices = @transform_3, window_bounds = array<i64: 50, 32, 256>}]} {
    %get3A = arith.constant 0 : index
    %get3A_0 = arith.constant 0 : index
    %get3A_1 = vector.load %arg1[%get3A, %get3A_0] : memref<256x1600xf32, #tpu.memory_space<vmem>>, vector<256x1600xf32>
    %get3A_2 = arith.constant 0 : index
    %get3A_3 = arith.constant 0 : index
    %get3A_4 = vector.load %arg2[%get3A_2, %get3A_3] : memref<256x1600xf32, #tpu.memory_space<vmem>>, vector<256x1600xf32>
    %slice3A = vector.extract_strided_slice %get3A_1 {offsets = [0, 0], sizes = [256, 32], strides = [1, 1]} : vector<256x1600xf32> to vector<256x32xf32>
    %transpose3A = tpu.transpose %slice3A, [1, 0] : vector<256x32xf32> -> vector<32x256xf32>
    %swap3A = arith.constant 0 : index
    %swap3A_5 = arith.constant 0 : index
    %swap3A_6 = arith.constant 0 : index
    %swap3A_7 = vector.load %arg3[%swap3A, %swap3A_5, %swap3A_6] : memref<50x32x256xf32, #tpu.memory_space<vmem>>, vector<1x32x256xf32>
    %swap3A_8 = vector.shape_cast %swap3A_7 : vector<1x32x256xf32> to vector<32x256xf32>
    %swap3A_9 = vector.shape_cast %transpose3A : vector<32x256xf32> to vector<1x32x256xf32>
    tpu.vector_store %arg3[%swap3A, %swap3A_5, %swap3A_6], %swap3A_9 {strides = array<i32>} : memref<50x32x256xf32, #tpu.memory_space<vmem>>, vector<1x32x256xf32>,
    %slice3A_10 = vector.extract_strided_slice %get3A_4 {offsets = [0, 0], sizes = [256, 32], strides = [1, 1]} : vector<256x1600xf32> to vector<256x32xf32>
    %transpose3A_11 = tpu.transpose %slice3A_10, [1, 0] : vector<256x32xf32> -> vector<32x256xf32>
    %swap3A_12 = arith.constant 0 : index
    %swap3A_13 = arith.constant 0 : index
    %swap3A_14 = arith.constant 0 : index
    %swap3A_15 = vector.load %arg4[%swap3A_12, %swap3A_13, %swap3A_14] : memref<50x32x256xf32, #tpu.memory_space<vmem>>, vector<1x32x256xf32>
    %swap3A_16 = vector.shape_cast %swap3A_15 : vector<1x32x256xf32> to vector<32x256xf32>
    %swap3A_17 = vector.shape_cast %transpose3A_11 : vector<32x256xf32> to vector<1x32x256xf32>
    tpu.vector_store %arg4[%swap3A_12, %swap3A_13, %swap3A_14], %swap3A_17 {strides = array<i32>} : memref<50x32x256xf32, #tpu.memory_space<vmem>>, vector<1x32x256xf32>,
    %slice3A_18 = vector.extract_strided_slice %get3A_1 {offsets = [0, 32], sizes = [256, 32], strides = [1, 1]} : vector<256x1600xf32> to vector<256x32xf32>
    %transpose3A_19 = tpu.transpose %slice3A_18, [1, 0] : vector<256x32xf32> -> vector<32x256xf32>
    %swap3A_20 = arith.constant 1 : index
    %swap3A_21 = arith.constant 0 : index
    %swap3A_22 = arith.constant 0 : index
    %swap3A_23 = vector.load %arg3[%swap3A_20, %swap3A_21, %swap3A_22] : memref<50x32x256xf32, #tpu.memory_space<vmem>>, vector<1x32x256xf32>
    %swap3A_24 = vector.shape_cast %swap3A_23 : vector<1x32x256xf32> to vector<32x256xf32>
    %swap3A_25 = vector.shape_cast %transpose3A_19 : vector<32x256xf32> to vector<1x32x256xf32>
    tpu.vector_store %arg3[%swap3A_20, %swap3A_21, %swap3A_22], %swap3A_25 {strides = array<i32>} : memref<50x32x256xf32, #tpu.memory_space<vmem>>, vector<1x32x256xf32>,
    %slice3A_26 = vector.extract_strided_slice %get3A_4 {offsets = [0, 32], sizes = [256, 32], strides = [1, 1]} : vector<256x1600xf32> to vector<256x32xf32>
    %transpose3A_27 = tpu.transpose %slice3A_26, [1, 0] : vector<256x32xf32> -> vector<32x256xf32>
    %swap3A_28 = arith.constant 1 : index
    %swap3A_29 = arith.constant 0 : index
    %swap3A_30 = arith.constant 0 : index
    %swap3A_31 = vector.load %arg4[%swap3A_28, %swap3A_29, %swap3A_30] : memref<50x32x256xf32, #tpu.memory_space<vmem>>, vector<1x32x256xf32>
    %swap3A_32 = vector.shape_cast %swap3A_31 : vector<1x32x256xf32> to vector<32x256xf32>
    %swap3A_33 = vector.shape_cast %transpose3A_27 : vector<32x256xf32> to vector<1x32x256xf32>
    tpu.vector_store %arg4[%swap3A_28, %swap3A_29, %swap3A_30], %swap3A_33 {strides = array<i32>} : memref<50x32x256xf32, #tpu.memory_space<vmem>>, vector<1x32x256xf32>,
    %slice3A_34 = vector.extract_strided_slice %get3A_1 {offsets = [0, 64], sizes = [256, 32], strides = [1, 1]} : vector<256x1600xf32> to vector<256x32xf32>
    %transpose3A_35 = tpu.transpose %slice3A_34, [1, 0] : vector<256x32xf32> -> vector<32x256xf32>
    %swap3A_36 = arith.constant 2 : index
    %swap3A_37 = arith.constant 0 : index
    %swap3A_38 = arith.constant 0 : index
    %swap3A_39 = vector.load %arg3[%swap3A_36, %swap3A_37, %swap3A_38] : memref<50x32x256xf32, #tpu.memory_space<vmem>>, vector<1x32x256xf32>
    %swap3A_40 = vector.shape_cast %swap3A_39 : vector<1x32x256xf32> to vector<32x256xf32>
    %swap3A_41 = vector.shape_cast %transpose3A_35 : vector<32x256xf32> to vector<1x32x256xf32>
    tpu.vector_store %arg3[%swap3A_36, %swap3A_37, %swap3A_38], %swap3A_41 {strides = array<i32>} : memref<50x32x256xf32, #tpu.memory_space<vmem>>, vector<1x32x256xf32>,
    %slice3A_42 = vector.extract_strided_slice %get3A_4 {offsets = [0, 64], sizes = [256, 32], strides = [1, 1]} : vector<256x1600xf32> to vector<256x32xf32>
    %transpose3A_43 = tpu.transpose %slice3A_42, [1, 0] : vector<256x32xf32> -> vector<32x256xf32>
    %swap3A_44 = arith.constant 2 : index
    %swap3A_45 = arith.constant 0 : index
    %swap3A_46 = arith.constant 0 : index
    %swap3A_47 = vector.load %arg4[%swap3A_44, %swap3A_45, %swap3A_46] : memref<50x32x256xf32, #tpu.memory_space<vmem>>, vector<1x32x256xf32>
    %swap3A_48 = vector.shape_cast %swap3A_47 : vector<1x32x256xf32> to vector<32x256xf32>
    %swap3A_49 = vector.shape_cast %transpose3A_43 : vector<32x256xf32> to vector<1x32x256xf32>
    tpu.vector_store %arg4[%swap3A_44, %swap3A_45, %swap3A_46], %swap3A_49 {strides = array<i32>} : memref<50x32x256xf32, #tpu.memory_space<vmem>>, vector<1x32x256xf32>,
    %slice3A_50 = vector.extract_strided_slice %get3A_1 {offsets = [0, 96], sizes = [256, 32], strides = [1, 1]} : vector<256x1600xf32> to vector<256x32xf32>
    %transpose3A_51 = tpu.transpose %slice3A_50, [1, 0] : vector<256x32xf32> -> vector<32x256xf32>
    %swap3A_52 = arith.constant 3 : index
    %swap3A_53 = arith.constant 0 : index
    %swap3A_54 = arith.constant 0 : index
    %swap3A_55 = vector.load %arg3[%swap3A_52, %swap3A_53, %swap3A_54] : memref<50x32x256xf32, #tpu.memory_space<vmem>>, vector<1x32x256xf32>
    %swap3A_56 = vector.shape_cast %swap3A_55 : vector<1x32x256xf32> to vector<32x256xf32>
    %swap3A_57 = vector.shape_cast %transpose3A_51 : vector<32x256xf32> to vector<1x32x256xf32>
    tpu.vector_store %arg3[%swap3A_52, %swap3A_53, %swap3A_54], %swap3A_57 {strides = array<i32>} : memref<50x32x256xf32, #tpu.memory_space<vmem>>, vector<1x32x256xf32>,
    %slice3A_58 = vector.extract_strided_slice %get3A_4 {offsets = [0, 96], sizes = [256, 32], strides = [1, 1]} : vector<256x1600xf32> to vector<256x32xf32>
    %transpose3A_59 = tpu.transpose %slice3A_58, [1, 0] : vector<256x32xf32> -> vector<32x256xf32>
    %swap3A_60 = arith.constant 3 : index
    %swap3A_61 = arith.constant 0 : index
    %swap3A_62 = arith.constant 0 : index
    %swap3A_63 = vector.load %arg4[%swap3A_60, %swap3A_61, %swap3A_62] : memref<50x32x256xf32, #tpu.memory_space<vmem>>, vector<1x32x256xf32>
    %swap3A_64 = vector.shape_cast %swap3A_63 : vector<1x32x256xf32> to vector<32x256xf32>
    %swap3A_65 = vector.shape_cast %transpose3A_59 : vector<32x256xf32> to vector<1x32x256xf32>
    tpu.vector_store %arg4[%swap3A_60, %swap3A_61, %swap3A_62], %swap3A_65 {strides = array<i32>} : memref<50x32x256xf32, #tpu.memory_space<vmem>>, vector<1x32x256xf32>,
    %slice3A_66 = vector.extract_strided_slice %get3A_1 {offsets = [0, 128], sizes = [256, 32], strides = [1, 1]} : vector<256x1600xf32> to vector<256x32xf32>
    %transpose3A_67 = tpu.transpose %slice3A_66, [1, 0] : vector<256x32xf32> -> vector<32x256xf32>
    %swap3A_68 = arith.constant 4 : index
    %swap3A_69 = arith.constant 0 : index
    %swap3A_70 = arith.constant 0 : index
    %swap3A_71 = vector.load %arg3[%swap3A_68, %swap3A_69, %swap3A_70] : memref<50x32x256xf32, #tpu.memory_space<vmem>>, vector<1x32x256xf32>
    %swap3A_72 = vector.shape_cast %swap3A_71 : vector<1x32x256xf32> to vector<32x256xf32>
    %swap3A_73 = vector.shape_cast %transpose3A_67 : vector<32x256xf32> to vector<1x32x256xf32>
    tpu.vector_store %arg3[%swap3A_68, %swap3A_69, %swap3A_70], %swap3A_73 {strides = array<i32>} : memref<50x32x256xf32, #tpu.memory_space<vmem>>, vector<1x32x256xf32>,
    %slice3A_74 = vector.extract_strided_slice %get3A_4 {offsets = [0, 128], sizes = [256, 32], strides = [1, 1]} : vector<256x1600xf32> to vector<256x32xf32>
    %transpose3A_75 = tpu.transpose %slice3A_74, [1, 0] : vector<256x32xf32> -> vector<32x256xf32>
    %swap3A_76 = arith.constant 4 : index
    %swap3A_77 = arith.constant 0 : index
    %swap3A_78 = arith.constant 0 : index
    %swap3A_79 = vector.load %arg4[%swap3A_76, %swap3A_77, %swap3A_78] : memref<50x32x256xf32, #tpu.memory_space<vmem>>, vector<1x32x256xf32>
    %swap3A_80 = vector.shape_cast %swap3A_79 : vector<1x32x256xf32> to vector<32x256xf32>
    %swap3A_81 = vector.shape_cast %transpose3A_75 : vector<32x256xf32> to vector<1x32x256xf32>
    tpu.vector_store %arg4[%swap3A_76, %swap3A_77, %swap3A_78], %swap3A_81 {strides = array<i32>} : memref<50x32x256xf32, #tpu.memory_space<vmem>>, vector<1x32x256xf32>,
    %slice3A_82 = vector.extract_strided_slice %get3A_1 {offsets = [0, 160], sizes = [256, 32], strides = [1, 1]} : vector<256x1600xf32> to vector<256x32xf32>
    %transpose3A_83 = tpu.transpose %slice3A_82, [1, 0] : vector<256x32xf32> -> vector<32x256xf32>
    %swap3A_84 = arith.constant 5 : index
    %swap3A_85 = arith.constant 0 : index
    %swap3A_86 = arith.constant 0 : index
    %swap3A_87 = vector.load %arg3[%swap3A_84, %swap3A_85, %swap3A_86] : memref<50x32x256xf32, #tpu.memory_space<vmem>>, vector<1x32x256xf32>
    %swap3A_88 = vector.shape_cast %swap3A_87 : vector<1x32x256xf32> to vector<32x256xf32>
    %swap3A_89 = vector.shape_cast %transpose3A_83 : vector<32x256xf32> to vector<1x32x256xf32>
    tpu.vector_store %arg3[%swap3A_84, %swap3A_85, %swap3A_86], %swap3A_89 {strides = array<i32>} : memref<50x32x256xf32, #tpu.memory_space<vmem>>, vector<1x32x256xf32>,
    %slice3A_90 = vector.extract_strided_slice %get3A_4 {offsets = [0, 160], sizes = [256, 32], strides = [1, 1]} : vector<256x1600xf32> to vector<256x32xf32>
    %transpose3A_91 = tpu.transpose %slice3A_90, [1, 0] : vector<256x32xf32> -> vector<32x256xf32>
    %swap3A_92 = arith.constant 5 : index
    %swap3A_93 = arith.constant 0 : index
    %swap3A_94 = arith.constant 0 : index
    %swap3A_95 = vector.load %arg4[%swap3A_92, %swap3A_93, %swap3A_94] : memref<50x32x256xf32, #tpu.memory_space<vmem>>, vector<1x32x256xf32>
    %swap3A_96 = vector.shape_cast %swap3A_95 : vector<1x32x256xf32> to vector<32x256xf32>
    %swap3A_97 = vector.shape_cast %transpose3A_91 : vector<32x256xf32> to vector<1x32x256xf32>
    tpu.vector_store %arg4[%swap3A_92, %swap3A_93, %swap3A_94], %swap3A_97 {strides = array<i32>} : memref<50x32x256xf32, #tpu.memory_space<vmem>>, vector<1x32x256xf32>,
    %slice3A_98 = vector.extract_strided_slice %get3A_1 {offsets = [0, 192], sizes = [256, 32], strides = [1, 1]} : vector<256x1600xf32> to vector<256x32xf32>
    %transpose3A_99 = tpu.transpose %slice3A_98, [1, 0] : vector<256x32xf32> -> vector<32x256xf32>
    %swap3A_100 = arith.constant 6 : index
    %swap3A_101 = arith.constant 0 : index
    %swap3A_102 = arith.constant 0 : index
    %swap3A_103 = vector.load %arg3[%swap3A_100, %swap3A_101, %swap3A_102] : memref<50x32x256xf32, #tpu.memory_space<vmem>>, vector<1x32x256xf32>
    %swap3A_104 = vector.shape_cast %swap3A_103 : vector<1x32x256xf32> to vector<32x256xf32>
    %swap3A_105 = vector.shape_cast %transpose3A_99 : vector<32x256xf32> to vector<1x32x256xf32>
    tpu.vector_store %arg3[%swap3A_100, %swap3A_101, %swap3A_102], %swap3A_105 {strides = array<i32>} : memref<50x32x256xf32, #tpu.memory_space<vmem>>, vector<1x32x256xf32>,
    %slice3A_106 = vector.extract_strided_slice %get3A_4 {offsets = [0, 192], sizes = [256, 32], strides = [1, 1]} : vector<256x1600xf32> to vector<256x32xf32>
    %transpose3A_107 = tpu.transpose %slice3A_106, [1, 0] : vector<256x32xf32> -> vector<32x256xf32>
    %swap3A_108 = arith.constant 6 : index
    %swap3A_109 = arith.constant 0 : index
    %swap3A_110 = arith.constant 0 : index
    %swap3A_111 = vector.load %arg4[%swap3A_108, %swap3A_109, %swap3A_110] : memref<50x32x256xf32, #tpu.memory_space<vmem>>, vector<1x32x256xf32>
    %swap3A_112 = vector.shape_cast %swap3A_111 : vector<1x32x256xf32> to vector<32x256xf32>
    %swap3A_113 = vector.shape_cast %transpose3A_107 : vector<32x256xf32> to vector<1x32x256xf32>
    tpu.vector_store %arg4[%swap3A_108, %swap3A_109, %swap3A_110], %swap3A_113 {strides = array<i32>} : memref<50x32x256xf32, #tpu.memory_space<vmem>>, vector<1x32x256xf32>,
    %slice3A_114 = vector.extract_strided_slice %get3A_1 {offsets = [0, 224], sizes = [256, 32], strides = [1, 1]} : vector<256x1600xf32> to vector<256x32xf32>
    %transpose3A_115 = tpu.transpose %slice3A_114, [1, 0] : vector<256x32xf32> -> vector<32x256xf32>
    %swap3A_116 = arith.constant 7 : index
    %swap3A_117 = arith.constant 0 : index
    %swap3A_118 = arith.constant 0 : index
    %swap3A_119 = vector.load %arg3[%swap3A_116, %swap3A_117, %swap3A_118] : memref<50x32x256xf32, #tpu.memory_space<vmem>>, vector<1x32x256xf32>
    %swap3A_120 = vector.shape_cast %swap3A_119 : vector<1x32x256xf32> to vector<32x256xf32>
    %swap3A_121 = vector.shape_cast %transpose3A_115 : vector<32x256xf32> to vector<1x32x256xf32>
    tpu.vector_store %arg3[%swap3A_116, %swap3A_117, %swap3A_118], %swap3A_121 {strides = array<i32>} : memref<50x32x256xf32, #tpu.memory_space<vmem>>, vector<1x32x256xf32>,
    %slice3A_122 = vector.extract_strided_slice %get3A_4 {offsets = [0, 224], sizes = [256, 32], strides = [1, 1]} : vector<256x1600xf32> to vector<256x32xf32>
    %transpose3A_123 = tpu.transpose %slice3A_122, [1, 0] : vector<256x32xf32> -> vector<32x256xf32>
    %swap3A_124 = arith.constant 7 : index
    %swap3A_125 = arith.constant 0 : index
    %swap3A_126 = arith.constant 0 : index
    %swap3A_127 = vector.load %arg4[%swap3A_124, %swap3A_125, %swap3A_126] : memref<50x32x256xf32, #tpu.memory_space<vmem>>, vector<1x32x256xf32>
    %swap3A_128 = vector.shape_cast %swap3A_127 : vector<1x32x256xf32> to vector<32x256xf32>
    %swap3A_129 = vector.shape_cast %transpose3A_123 : vector<32x256xf32> to vector<1x32x256xf32>
    tpu.vector_store %arg4[%swap3A_124, %swap3A_125, %swap3A_126], %swap3A_129 {strides = array<i32>} : memref<50x32x256xf32, #tpu.memory_space<vmem>>, vector<1x32x256xf32>,
    %slice3A_130 = vector.extract_strided_slice %get3A_1 {offsets = [0, 256], sizes = [256, 32], strides = [1, 1]} : vector<256x1600xf32> to vector<256x32xf32>
    %transpose3A_131 = tpu.transpose %slice3A_130, [1, 0] : vector<256x32xf32> -> vector<32x256xf32>
    %swap3A_132 = arith.constant 8 : index
    %swap3A_133 = arith.constant 0 : index
    %swap3A_134 = arith.constant 0 : index
    %swap3A_135 = vector.load %arg3[%swap3A_132, %swap3A_133, %swap3A_134] : memref<50x32x256xf32, #tpu.memory_space<vmem>>, vector<1x32x256xf32>
    %swap3A_136 = vector.shape_cast %swap3A_135 : vector<1x32x256xf32> to vector<32x256xf32>
    %swap3A_137 = vector.shape_cast %transpose3A_131 : vector<32x256xf32> to vector<1x32x256xf32>
    tpu.vector_store %arg3[%swap3A_132, %swap3A_133, %swap3A_134], %swap3A_137 {strides = array<i32>} : memref<50x32x256xf32, #tpu.memory_space<vmem>>, vector<1x32x256xf32>,
    %slice3A_138 = vector.extract_strided_slice %get3A_4 {offsets = [0, 256], sizes = [256, 32], strides = [1, 1]} : vector<256x1600xf32> to vector<256x32xf32>
    %transpose3A_139 = tpu.transpose %slice3A_138, [1, 0] : vector<256x32xf32> -> vector<32x256xf32>
    %swap3A_140 = arith.constant 8 : index
    %swap3A_141 = arith.constant 0 : index
    %swap3A_142 = arith.constant 0 : index
    %swap3A_143 = vector.load %arg4[%swap3A_140, %swap3A_141, %swap3A_142] : memref<50x32x256xf32, #tpu.memory_space<vmem>>, vector<1x32x256xf32>
    %swap3A_144 = vector.shape_cast %swap3A_143 : vector<1x32x256xf32> to vector<32x256xf32>
    %swap3A_145 = vector.shape_cast %transpose3A_139 : vector<32x256xf32> to vector<1x32x256xf32>
    tpu.vector_store %arg4[%swap3A_140, %swap3A_141, %swap3A_142], %swap3A_145 {strides = array<i32>} : memref<50x32x256xf32, #tpu.memory_space<vmem>>, vector<1x32x256xf32>,
    %slice3A_146 = vector.extract_strided_slice %get3A_1 {offsets = [0, 288], sizes = [256, 32], strides = [1, 1]} : vector<256x1600xf32> to vector<256x32xf32>
    %transpose3A_147 = tpu.transpose %slice3A_146, [1, 0] : vector<256x32xf32> -> vector<32x256xf32>
    %swap3A_148 = arith.constant 9 : index
    %swap3A_149 = arith.constant 0 : index
    %swap3A_150 = arith.constant 0 : index
    %swap3A_151 = vector.load %arg3[%swap3A_148, %swap3A_149, %swap3A_150] : memref<50x32x256xf32, #tpu.memory_space<vmem>>, vector<1x32x256xf32>
    %swap3A_152 = vector.shape_cast %swap3A_151 : vector<1x32x256xf32> to vector<32x256xf32>
    %swap3A_153 = vector.shape_cast %transpose3A_147 : vector<32x256xf32> to vector<1x32x256xf32>
    tpu.vector_store %arg3[%swap3A_148, %swap3A_149, %swap3A_150], %swap3A_153 {strides = array<i32>} : memref<50x32x256xf32, #tpu.memory_space<vmem>>, vector<1x32x256xf32>,
    %slice3A_154 = vector.extract_strided_slice %get3A_4 {offsets = [0, 288], sizes = [256, 32], strides = [1, 1]} : vector<256x1600xf32> to vector<256x32xf32>
    %transpose3A_155 = tpu.transpose %slice3A_154, [1, 0] : vector<256x32xf32> -> vector<32x256xf32>
    %swap3A_156 = arith.constant 9 : index
    %swap3A_157 = arith.constant 0 : index
    %swap3A_158 = arith.constant 0 : index
    %swap3A_159 = vector.load %arg4[%swap3A_156, %swap3A_157, %swap3A_158] : memref<50x32x256xf32, #tpu.memory_space<vmem>>, vector<1x32x256xf32>
    %swap3A_160 = vector.shape_cast %swap3A_159 : vector<1x32x256xf32> to vector<32x256xf32>
    %swap3A_161 = vector.shape_cast %transpose3A_155 : vector<32x256xf32> to vector<1x32x256xf32>
    tpu.vector_store %arg4[%swap3A_156, %swap3A_157, %swap3A_158], %swap3A_161 {strides = array<i32>} : memref<50x32x256xf32, #tpu.memory_space<vmem>>, vector<1x32x256xf32>,
    %slice3A_162 = vector.extract_strided_slice %get3A_1 {offsets = [0, 320], sizes = [256, 32], strides = [1, 1]} : vector<256x1600xf32> to vector<256x32xf32>
    %transpose3A_163 = tpu.transpose %slice3A_162, [1, 0] : vector<256x32xf32> -> vector<32x256xf32>
    %swap3A_164 = arith.constant 10 : index
    %swap3A_165 = arith.constant 0 : index
    %swap3A_166 = arith.constant 0 : index
    %swap3A_167 = vector.load %arg3[%swap3A_164, %swap3A_165, %swap3A_166] : memref<50x32x256xf32, #tpu.memory_space<vmem>>, vector<1x32x256xf32>
    %swap3A_168 = vector.shape_cast %swap3A_167 : vector<1x32x256xf32> to vector<32x256xf32>
    %swap3A_169 = vector.shape_cast %transpose3A_163 : vector<32x256xf32> to vector<1x32x256xf32>
    tpu.vector_store %arg3[%swap3A_164, %swap3A_165, %swap3A_166], %swap3A_169 {strides = array<i32>} : memref<50x32x256xf32, #tpu.memory_space<vmem>>, vector<1x32x256xf32>,
    %slice3A_170 = vector.extract_strided_slice %get3A_4 {offsets = [0, 320], sizes = [256, 32], strides = [1, 1]} : vector<256x1600xf32> to vector<256x32xf32>
    %transpose3A_171 = tpu.transpose %slice3A_170, [1, 0] : vector<256x32xf32> -> vector<32x256xf32>
    %swap3A_172 = arith.constant 10 : index
    %swap3A_173 = arith.constant 0 : index
    %swap3A_174 = arith.constant 0 : index
    %swap3A_175 = vector.load %arg4[%swap3A_172, %swap3A_173, %swap3A_174] : memref<50x32x256xf32, #tpu.memory_space<vmem>>, vector<1x32x256xf32>
    %swap3A_176 = vector.shape_cast %swap3A_175 : vector<1x32x256xf32> to vector<32x256xf32>
    %swap3A_177 = vector.shape_cast %transpose3A_171 : vector<32x256xf32> to vector<1x32x256xf32>
    tpu.vector_store %arg4[%swap3A_172, %swap3A_173, %swap3A_174], %swap3A_177 {strides = array<i32>} : memref<50x32x256xf32, #tpu.memory_space<vmem>>, vector<1x32x256xf32>,
    %slice3A_178 = vector.extract_strided_slice %get3A_1 {offsets = [0, 352], sizes = [256, 32], strides = [1, 1]} : vector<256x1600xf32> to vector<256x32xf32>
    %transpose3A_179 = tpu.transpose %slice3A_178, [1, 0] : vector<256x32xf32> -> vector<32x256xf32>
    %swap3A_180 = arith.constant 11 : index
    %swap3A_181 = arith.constant 0 : index
    %swap3A_182 = arith.constant 0 : index
    %swap3A_183 = vector.load %arg3[%swap3A_180, %swap3A_181, %swap3A_182] : memref<50x32x256xf32, #tpu.memory_space<vmem>>, vector<1x32x256xf32>
    %swap3A_184 = vector.shape_cast %swap3A_183 : vector<1x32x256xf32> to vector<32x256xf32>
    %swap3A_185 = vector.shape_cast %transpose3A_179 : vector<32x256xf32> to vector<1x32x256xf32>
    tpu.vector_store %arg3[%swap3A_180, %swap3A_181, %swap3A_182], %swap3A_185 {strides = array<i32>} : memref<50x32x256xf32, #tpu.memory_space<vmem>>, vector<1x32x256xf32>,
    %slice3A_186 = vector.extract_strided_slice %get3A_4 {offsets = [0, 352], sizes = [256, 32], strides = [1, 1]} : vector<256x1600xf32> to vector<256x32xf32>
    %transpose3A_187 = tpu.transpose %slice3A_186, [1, 0] : vector<256x32xf32> -> vector<32x256xf32>
    %swap3A_188 = arith.constant 11 : index
    %swap3A_189 = arith.constant 0 : index
    %swap3A_190 = arith.constant 0 : index
    %swap3A_191 = vector.load %arg4[%swap3A_188, %swap3A_189, %swap3A_190] : memref<50x32x256xf32, #tpu.memory_space<vmem>>, vector<1x32x256xf32>
    %swap3A_192 = vector.shape_cast %swap3A_191 : vector<1x32x256xf32> to vector<32x256xf32>
    %swap3A_193 = vector.shape_cast %transpose3A_187 : vector<32x256xf32> to vector<1x32x256xf32>
    tpu.vector_store %arg4[%swap3A_188, %swap3A_189, %swap3A_190], %swap3A_193 {strides = array<i32>} : memref<50x32x256xf32, #tpu.memory_space<vmem>>, vector<1x32x256xf32>,
    %slice3A_194 = vector.extract_strided_slice %get3A_1 {offsets = [0, 384], sizes = [256, 32], strides = [1, 1]} : vector<256x1600xf32> to vector<256x32xf32>
    %transpose3A_195 = tpu.transpose %slice3A_194, [1, 0] : vector<256x32xf32> -> vector<32x256xf32>
    %swap3A_196 = arith.constant 12 : index
    %swap3A_197 = arith.constant 0 : index
    %swap3A_198 = arith.constant 0 : index
    %swap3A_199 = vector.load %arg3[%swap3A_196, %swap3A_197, %swap3A_198] : memref<50x32x256xf32, #tpu.memory_space<vmem>>, vector<1x32x256xf32>
    %swap3A_200 = vector.shape_cast %swap3A_199 : vector<1x32x256xf32> to vector<32x256xf32>
    %swap3A_201 = vector.shape_cast %transpose3A_195 : vector<32x256xf32> to vector<1x32x256xf32>
    tpu.vector_store %arg3[%swap3A_196, %swap3A_197, %swap3A_198], %swap3A_201 {strides = array<i32>} : memref<50x32x256xf32, #tpu.memory_space<vmem>>, vector<1x32x256xf32>,
    %slice3A_202 = vector.extract_strided_slice %get3A_4 {offsets = [0, 384], sizes = [256, 32], strides = [1, 1]} : vector<256x1600xf32> to vector<256x32xf32>
    %transpose3A_203 = tpu.transpose %slice3A_202, [1, 0] : vector<256x32xf32> -> vector<32x256xf32>
    %swap3A_204 = arith.constant 12 : index
    %swap3A_205 = arith.constant 0 : index
    %swap3A_206 = arith.constant 0 : index
    %swap3A_207 = vector.load %arg4[%swap3A_204, %swap3A_205, %swap3A_206] : memref<50x32x256xf32, #tpu.memory_space<vmem>>, vector<1x32x256xf32>
    %swap3A_208 = vector.shape_cast %swap3A_207 : vector<1x32x256xf32> to vector<32x256xf32>
    %swap3A_209 = vector.shape_cast %transpose3A_203 : vector<32x256xf32> to vector<1x32x256xf32>
    tpu.vector_store %arg4[%swap3A_204, %swap3A_205, %swap3A_206], %swap3A_209 {strides = array<i32>} : memref<50x32x256xf32, #tpu.memory_space<vmem>>, vector<1x32x256xf32>,
    %slice3A_210 = vector.extract_strided_slice %get3A_1 {offsets = [0, 416], sizes = [256, 32], strides = [1, 1]} : vector<256x1600xf32> to vector<256x32xf32>
    %transpose3A_211 = tpu.transpose %slice3A_210, [1, 0] : vector<256x32xf32> -> vector<32x256xf32>
    %swap3A_212 = arith.constant 13 : index
    %swap3A_213 = arith.constant 0 : index
    %swap3A_214 = arith.constant 0 : index
    %swap3A_215 = vector.load %arg3[%swap3A_212, %swap3A_213, %swap3A_214] : memref<50x32x256xf32, #tpu.memory_space<vmem>>, vector<1x32x256xf32>
    %swap3A_216 = vector.shape_cast %swap3A_215 : vector<1x32x256xf32> to vector<32x256xf32>
    %swap3A_217 = vector.shape_cast %transpose3A_211 : vector<32x256xf32> to vector<1x32x256xf32>
    tpu.vector_store %arg3[%swap3A_212, %swap3A_213, %swap3A_214], %swap3A_217 {strides = array<i32>} : memref<50x32x256xf32, #tpu.memory_space<vmem>>, vector<1x32x256xf32>,
    %slice3A_218 = vector.extract_strided_slice %get3A_4 {offsets = [0, 416], sizes = [256, 32], strides = [1, 1]} : vector<256x1600xf32> to vector<256x32xf32>
    %transpose3A_219 = tpu.transpose %slice3A_218, [1, 0] : vector<256x32xf32> -> vector<32x256xf32>
    %swap3A_220 = arith.constant 13 : index
    %swap3A_221 = arith.constant 0 : index
    %swap3A_222 = arith.constant 0 : index
    %swap3A_223 = vector.load %arg4[%swap3A_220, %swap3A_221, %swap3A_222] : memref<50x32x256xf32, #tpu.memory_space<vmem>>, vector<1x32x256xf32>
    %swap3A_224 = vector.shape_cast %swap3A_223 : vector<1x32x256xf32> to vector<32x256xf32>
    %swap3A_225 = vector.shape_cast %transpose3A_219 : vector<32x256xf32> to vector<1x32x256xf32>
    tpu.vector_store %arg4[%swap3A_220, %swap3A_221, %swap3A_222], %swap3A_225 {strides = array<i32>} : memref<50x32x256xf32, #tpu.memory_space<vmem>>, vector<1x32x256xf32>,
    %slice3A_226 = vector.extract_strided_slice %get3A_1 {offsets = [0, 448], sizes = [256, 32], strides = [1, 1]} : vector<256x1600xf32> to vector<256x32xf32>
    %transpose3A_227 = tpu.transpose %slice3A_226, [1, 0] : vector<256x32xf32> -> vector<32x256xf32>
    %swap3A_228 = arith.constant 14 : index
    %swap3A_229 = arith.constant 0 : index
    %swap3A_230 = arith.constant 0 : index
    %swap3A_231 = vector.load %arg3[%swap3A_228, %swap3A_229, %swap3A_230] : memref<50x32x256xf32, #tpu.memory_space<vmem>>, vector<1x32x256xf32>
    %swap3A_232 = vector.shape_cast %swap3A_231 : vector<1x32x256xf32> to vector<32x256xf32>
    %swap3A_233 = vector.shape_cast %transpose3A_227 : vector<32x256xf32> to vector<1x32x256xf32>
    tpu.vector_store %arg3[%swap3A_228, %swap3A_229, %swap3A_230], %swap3A_233 {strides = array<i32>} : memref<50x32x256xf32, #tpu.memory_space<vmem>>, vector<1x32x256xf32>,
    %slice3A_234 = vector.extract_strided_slice %get3A_4 {offsets = [0, 448], sizes = [256, 32], strides = [1, 1]} : vector<256x1600xf32> to vector<256x32xf32>
    %transpose3A_235 = tpu.transpose %slice3A_234, [1, 0] : vector<256x32xf32> -> vector<32x256xf32>
    %swap3A_236 = arith.constant 14 : index
    %swap3A_237 = arith.constant 0 : index
    %swap3A_238 = arith.constant 0 : index
    %swap3A_239 = vector.load %arg4[%swap3A_236, %swap3A_237, %swap3A_238] : memref<50x32x256xf32, #tpu.memory_space<vmem>>, vector<1x32x256xf32>
    %swap3A_240 = vector.shape_cast %swap3A_239 : vector<1x32x256xf32> to vector<32x256xf32>
    %swap3A_241 = vector.shape_cast %transpose3A_235 : vector<32x256xf32> to vector<1x32x256xf32>
    tpu.vector_store %arg4[%swap3A_236, %swap3A_237, %swap3A_238], %swap3A_241 {strides = array<i32>} : memref<50x32x256xf32, #tpu.memory_space<vmem>>, vector<1x32x256xf32>,
    %slice3A_242 = vector.extract_strided_slice %get3A_1 {offsets = [0, 480], sizes = [256, 32], strides = [1, 1]} : vector<256x1600xf32> to vector<256x32xf32>
    %transpose3A_243 = tpu.transpose %slice3A_242, [1, 0] : vector<256x32xf32> -> vector<32x256xf32>
    %swap3A_244 = arith.constant 15 : index
    %swap3A_245 = arith.constant 0 : index
    %swap3A_246 = arith.constant 0 : index
    %swap3A_247 = vector.load %arg3[%swap3A_244, %swap3A_245, %swap3A_246] : memref<50x32x256xf32, #tpu.memory_space<vmem>>, vector<1x32x256xf32>
    %swap3A_248 = vector.shape_cast %swap3A_247 : vector<1x32x256xf32> to vector<32x256xf32>
    %swap3A_249 = vector.shape_cast %transpose3A_243 : vector<32x256xf32> to vector<1x32x256xf32>
    tpu.vector_store %arg3[%swap3A_244, %swap3A_245, %swap3A_246], %swap3A_249 {strides = array<i32>} : memref<50x32x256xf32, #tpu.memory_space<vmem>>, vector<1x32x256xf32>,
    %slice3A_250 = vector.extract_strided_slice %get3A_4 {offsets = [0, 480], sizes = [256, 32], strides = [1, 1]} : vector<256x1600xf32> to vector<256x32xf32>
    %transpose3A_251 = tpu.transpose %slice3A_250, [1, 0] : vector<256x32xf32> -> vector<32x256xf32>
    %swap3A_252 = arith.constant 15 : index
    %swap3A_253 = arith.constant 0 : index
    %swap3A_254 = arith.constant 0 : index
    %swap3A_255 = vector.load %arg4[%swap3A_252, %swap3A_253, %swap3A_254] : memref<50x32x256xf32, #tpu.memory_space<vmem>>, vector<1x32x256xf32>
    %swap3A_256 = vector.shape_cast %swap3A_255 : vector<1x32x256xf32> to vector<32x256xf32>
    %swap3A_257 = vector.shape_cast %transpose3A_251 : vector<32x256xf32> to vector<1x32x256xf32>
    tpu.vector_store %arg4[%swap3A_252, %swap3A_253, %swap3A_254], %swap3A_257 {strides = array<i32>} : memref<50x32x256xf32, #tpu.memory_space<vmem>>, vector<1x32x256xf32>,
    %slice3A_258 = vector.extract_strided_slice %get3A_1 {offsets = [0, 512], sizes = [256, 32], strides = [1, 1]} : vector<256x1600xf32> to vector<256x32xf32>
    %transpose3A_259 = tpu.transpose %slice3A_258, [1, 0] : vector<256x32xf32> -> vector<32x256xf32>
    %swap3A_260 = arith.constant 16 : index
    %swap3A_261 = arith.constant 0 : index
    %swap3A_262 = arith.constant 0 : index
    %swap3A_263 = vector.load %arg3[%swap3A_260, %swap3A_261, %swap3A_262] : memref<50x32x256xf32, #tpu.memory_space<vmem>>, vector<1x32x256xf32>
    %swap3A_264 = vector.shape_cast %swap3A_263 : vector<1x32x256xf32> to vector<32x256xf32>
    %swap3A_265 = vector.shape_cast %transpose3A_259 : vector<32x256xf32> to vector<1x32x256xf32>
    tpu.vector_store %arg3[%swap3A_260, %swap3A_261, %swap3A_262], %swap3A_265 {strides = array<i32>} : memref<50x32x256xf32, #tpu.memory_space<vmem>>, vector<1x32x256xf32>,
    %slice3A_266 = vector.extract_strided_slice %get3A_4 {offsets = [0, 512], sizes = [256, 32], strides = [1, 1]} : vector<256x1600xf32> to vector<256x32xf32>
    %transpose3A_267 = tpu.transpose %slice3A_266, [1, 0] : vector<256x32xf32> -> vector<32x256xf32>
    %swap3A_268 = arith.constant 16 : index
    %swap3A_269 = arith.constant 0 : index
    %swap3A_270 = arith.constant 0 : index
    %swap3A_271 = vector.load %arg4[%swap3A_268, %swap3A_269, %swap3A_270] : memref<50x32x256xf32, #tpu.memory_space<vmem>>, vector<1x32x256xf32>
    %swap3A_272 = vector.shape_cast %swap3A_271 : vector<1x32x256xf32> to vector<32x256xf32>
    %swap3A_273 = vector.shape_cast %transpose3A_267 : vector<32x256xf32> to vector<1x32x256xf32>
    tpu.vector_store %arg4[%swap3A_268, %swap3A_269, %swap3A_270], %swap3A_273 {strides = array<i32>} : memref<50x32x256xf32, #tpu.memory_space<vmem>>, vector<1x32x256xf32>,
    %slice3A_274 = vector.extract_strided_slice %get3A_1 {offsets = [0, 544], sizes = [256, 32], strides = [1, 1]} : vector<256x1600xf32> to vector<256x32xf32>
    %transpose3A_275 = tpu.transpose %slice3A_274, [1, 0] : vector<256x32xf32> -> vector<32x256xf32>
    %swap3A_276 = arith.constant 17 : index
    %swap3A_277 = arith.constant 0 : index
    %swap3A_278 = arith.constant 0 : index
    %swap3A_279 = vector.load %arg3[%swap3A_276, %swap3A_277, %swap3A_278] : memref<50x32x256xf32, #tpu.memory_space<vmem>>, vector<1x32x256xf32>
    %swap3A_280 = vector.shape_cast %swap3A_279 : vector<1x32x256xf32> to vector<32x256xf32>
    %swap3A_281 = vector.shape_cast %transpose3A_275 : vector<32x256xf32> to vector<1x32x256xf32>
    tpu.vector_store %arg3[%swap3A_276, %swap3A_277, %swap3A_278], %swap3A_281 {strides = array<i32>} : memref<50x32x256xf32, #tpu.memory_space<vmem>>, vector<1x32x256xf32>,
    %slice3A_282 = vector.extract_strided_slice %get3A_4 {offsets = [0, 544], sizes = [256, 32], strides = [1, 1]} : vector<256x1600xf32> to vector<256x32xf32>
    %transpose3A_283 = tpu.transpose %slice3A_282, [1, 0] : vector<256x32xf32> -> vector<32x256xf32>
    %swap3A_284 = arith.constant 17 : index
    %swap3A_285 = arith.constant 0 : index
    %swap3A_286 = arith.constant 0 : index
    %swap3A_287 = vector.load %arg4[%swap3A_284, %swap3A_285, %swap3A_286] : memref<50x32x256xf32, #tpu.memory_space<vmem>>, vector<1x32x256xf32>
    %swap3A_288 = vector.shape_cast %swap3A_287 : vector<1x32x256xf32> to vector<32x256xf32>
    %swap3A_289 = vector.shape_cast %transpose3A_283 : vector<32x256xf32> to vector<1x32x256xf32>
    tpu.vector_store %arg4[%swap3A_284, %swap3A_285, %swap3A_286], %swap3A_289 {strides = array<i32>} : memref<50x32x256xf32, #tpu.memory_space<vmem>>, vector<1x32x256xf32>,
    %slice3A_290 = vector.extract_strided_slice %get3A_1 {offsets = [0, 576], sizes = [256, 32], strides = [1, 1]} : vector<256x1600xf32> to vector<256x32xf32>
    %transpose3A_291 = tpu.transpose %slice3A_290, [1, 0] : vector<256x32xf32> -> vector<32x256xf32>
    %swap3A_292 = arith.constant 18 : index
    %swap3A_293 = arith.constant 0 : index
    %swap3A_294 = arith.constant 0 : index
    %swap3A_295 = vector.load %arg3[%swap3A_292, %swap3A_293, %swap3A_294] : memref<50x32x256xf32, #tpu.memory_space<vmem>>, vector<1x32x256xf32>
    %swap3A_296 = vector.shape_cast %swap3A_295 : vector<1x32x256xf32> to vector<32x256xf32>
    %swap3A_297 = vector.shape_cast %transpose3A_291 : vector<32x256xf32> to vector<1x32x256xf32>
    tpu.vector_store %arg3[%swap3A_292, %swap3A_293, %swap3A_294], %swap3A_297 {strides = array<i32>} : memref<50x32x256xf32, #tpu.memory_space<vmem>>, vector<1x32x256xf32>,
    %slice3A_298 = vector.extract_strided_slice %get3A_4 {offsets = [0, 576], sizes = [256, 32], strides = [1, 1]} : vector<256x1600xf32> to vector<256x32xf32>
    %transpose3A_299 = tpu.transpose %slice3A_298, [1, 0] : vector<256x32xf32> -> vector<32x256xf32>
    %swap3A_300 = arith.constant 18 : index
    %swap3A_301 = arith.constant 0 : index
    %swap3A_302 = arith.constant 0 : index
    %swap3A_303 = vector.load %arg4[%swap3A_300, %swap3A_301, %swap3A_302] : memref<50x32x256xf32, #tpu.memory_space<vmem>>, vector<1x32x256xf32>
    %swap3A_304 = vector.shape_cast %swap3A_303 : vector<1x32x256xf32> to vector<32x256xf32>
    %swap3A_305 = vector.shape_cast %transpose3A_299 : vector<32x256xf32> to vector<1x32x256xf32>
    tpu.vector_store %arg4[%swap3A_300, %swap3A_301, %swap3A_302], %swap3A_305 {strides = array<i32>} : memref<50x32x256xf32, #tpu.memory_space<vmem>>, vector<1x32x256xf32>,
    %slice3A_306 = vector.extract_strided_slice %get3A_1 {offsets = [0, 608], sizes = [256, 32], strides = [1, 1]} : vector<256x1600xf32> to vector<256x32xf32>
    %transpose3A_307 = tpu.transpose %slice3A_306, [1, 0] : vector<256x32xf32> -> vector<32x256xf32>
    %swap3A_308 = arith.constant 19 : index
    %swap3A_309 = arith.constant 0 : index
    %swap3A_310 = arith.constant 0 : index
    %swap3A_311 = vector.load %arg3[%swap3A_308, %swap3A_309, %swap3A_310] : memref<50x32x256xf32, #tpu.memory_space<vmem>>, vector<1x32x256xf32>
    %swap3A_312 = vector.shape_cast %swap3A_311 : vector<1x32x256xf32> to vector<32x256xf32>
    %swap3A_313 = vector.shape_cast %transpose3A_307 : vector<32x256xf32> to vector<1x32x256xf32>
    tpu.vector_store %arg3[%swap3A_308, %swap3A_309, %swap3A_310], %swap3A_313 {strides = array<i32>} : memref<50x32x256xf32, #tpu.memory_space<vmem>>, vector<1x32x256xf32>,
    %slice3A_314 = vector.extract_strided_slice %get3A_4 {offsets = [0, 608], sizes = [256, 32], strides = [1, 1]} : vector<256x1600xf32> to vector<256x32xf32>
    %transpose3A_315 = tpu.transpose %slice3A_314, [1, 0] : vector<256x32xf32> -> vector<32x256xf32>
    %swap3A_316 = arith.constant 19 : index
    %swap3A_317 = arith.constant 0 : index
    %swap3A_318 = arith.constant 0 : index
    %swap3A_319 = vector.load %arg4[%swap3A_316, %swap3A_317, %swap3A_318] : memref<50x32x256xf32, #tpu.memory_space<vmem>>, vector<1x32x256xf32>
    %swap3A_320 = vector.shape_cast %swap3A_319 : vector<1x32x256xf32> to vector<32x256xf32>
    %swap3A_321 = vector.shape_cast %transpose3A_315 : vector<32x256xf32> to vector<1x32x256xf32>
    tpu.vector_store %arg4[%swap3A_316, %swap3A_317, %swap3A_318], %swap3A_321 {strides = array<i32>} : memref<50x32x256xf32, #tpu.memory_space<vmem>>, vector<1x32x256xf32>,
    %slice3A_322 = vector.extract_strided_slice %get3A_1 {offsets = [0, 640], sizes = [256, 32], strides = [1, 1]} : vector<256x1600xf32> to vector<256x32xf32>
    %transpose3A_323 = tpu.transpose %slice3A_322, [1, 0] : vector<256x32xf32> -> vector<32x256xf32>
    %swap3A_324 = arith.constant 20 : index
    %swap3A_325 = arith.constant 0 : index
    %swap3A_326 = arith.constant 0 : index
    %swap3A_327 = vector.load %arg3[%swap3A_324, %swap3A_325, %swap3A_326] : memref<50x32x256xf32, #tpu.memory_space<vmem>>, vector<1x32x256xf32>
    %swap3A_328 = vector.shape_cast %swap3A_327 : vector<1x32x256xf32> to vector<32x256xf32>
    %swap3A_329 = vector.shape_cast %transpose3A_323 : vector<32x256xf32> to vector<1x32x256xf32>
    tpu.vector_store %arg3[%swap3A_324, %swap3A_325, %swap3A_326], %swap3A_329 {strides = array<i32>} : memref<50x32x256xf32, #tpu.memory_space<vmem>>, vector<1x32x256xf32>,
    %slice3A_330 = vector.extract_strided_slice %get3A_4 {offsets = [0, 640], sizes = [256, 32], strides = [1, 1]} : vector<256x1600xf32> to vector<256x32xf32>
    %transpose3A_331 = tpu.transpose %slice3A_330, [1, 0] : vector<256x32xf32> -> vector<32x256xf32>
    %swap3A_332 = arith.constant 20 : index
    %swap3A_333 = arith.constant 0 : index
    %swap3A_334 = arith.constant 0 : index
    %swap3A_335 = vector.load %arg4[%swap3A_332, %swap3A_333, %swap3A_334] : memref<50x32x256xf32, #tpu.memory_space<vmem>>, vector<1x32x256xf32>
    %swap3A_336 = vector.shape_cast %swap3A_335 : vector<1x32x256xf32> to vector<32x256xf32>
    %swap3A_337 = vector.shape_cast %transpose3A_331 : vector<32x256xf32> to vector<1x32x256xf32>
    tpu.vector_store %arg4[%swap3A_332, %swap3A_333, %swap3A_334], %swap3A_337 {strides = array<i32>} : memref<50x32x256xf32, #tpu.memory_space<vmem>>, vector<1x32x256xf32>,
    %slice3A_338 = vector.extract_strided_slice %get3A_1 {offsets = [0, 672], sizes = [256, 32], strides = [1, 1]} : vector<256x1600xf32> to vector<256x32xf32>
    %transpose3A_339 = tpu.transpose %slice3A_338, [1, 0] : vector<256x32xf32> -> vector<32x256xf32>
    %swap3A_340 = arith.constant 21 : index
    %swap3A_341 = arith.constant 0 : index
    %swap3A_342 = arith.constant 0 : index
    %swap3A_343 = vector.load %arg3[%swap3A_340, %swap3A_341, %swap3A_342] : memref<50x32x256xf32, #tpu.memory_space<vmem>>, vector<1x32x256xf32>
    %swap3A_344 = vector.shape_cast %swap3A_343 : vector<1x32x256xf32> to vector<32x256xf32>
    %swap3A_345 = vector.shape_cast %transpose3A_339 : vector<32x256xf32> to vector<1x32x256xf32>
    tpu.vector_store %arg3[%swap3A_340, %swap3A_341, %swap3A_342], %swap3A_345 {strides = array<i32>} : memref<50x32x256xf32, #tpu.memory_space<vmem>>, vector<1x32x256xf32>,
    %slice3A_346 = vector.extract_strided_slice %get3A_4 {offsets = [0, 672], sizes = [256, 32], strides = [1, 1]} : vector<256x1600xf32> to vector<256x32xf32>
    %transpose3A_347 = tpu.transpose %slice3A_346, [1, 0] : vector<256x32xf32> -> vector<32x256xf32>
    %swap3A_348 = arith.constant 21 : index
    %swap3A_349 = arith.constant 0 : index
    %swap3A_350 = arith.constant 0 : index
    %swap3A_351 = vector.load %arg4[%swap3A_348, %swap3A_349, %swap3A_350] : memref<50x32x256xf32, #tpu.memory_space<vmem>>, vector<1x32x256xf32>
    %swap3A_352 = vector.shape_cast %swap3A_351 : vector<1x32x256xf32> to vector<32x256xf32>
    %swap3A_353 = vector.shape_cast %transpose3A_347 : vector<32x256xf32> to vector<1x32x256xf32>
    tpu.vector_store %arg4[%swap3A_348, %swap3A_349, %swap3A_350], %swap3A_353 {strides = array<i32>} : memref<50x32x256xf32, #tpu.memory_space<vmem>>, vector<1x32x256xf32>,
    %slice3A_354 = vector.extract_strided_slice %get3A_1 {offsets = [0, 704], sizes = [256, 32], strides = [1, 1]} : vector<256x1600xf32> to vector<256x32xf32>
    %transpose3A_355 = tpu.transpose %slice3A_354, [1, 0] : vector<256x32xf32> -> vector<32x256xf32>
    %swap3A_356 = arith.constant 22 : index
    %swap3A_357 = arith.constant 0 : index
    %swap3A_358 = arith.constant 0 : index
    %swap3A_359 = vector.load %arg3[%swap3A_356, %swap3A_357, %swap3A_358] : memref<50x32x256xf32, #tpu.memory_space<vmem>>, vector<1x32x256xf32>
    %swap3A_360 = vector.shape_cast %swap3A_359 : vector<1x32x256xf32> to vector<32x256xf32>
    %swap3A_361 = vector.shape_cast %transpose3A_355 : vector<32x256xf32> to vector<1x32x256xf32>
    tpu.vector_store %arg3[%swap3A_356, %swap3A_357, %swap3A_358], %swap3A_361 {strides = array<i32>} : memref<50x32x256xf32, #tpu.memory_space<vmem>>, vector<1x32x256xf32>,
    %slice3A_362 = vector.extract_strided_slice %get3A_4 {offsets = [0, 704], sizes = [256, 32], strides = [1, 1]} : vector<256x1600xf32> to vector<256x32xf32>
    %transpose3A_363 = tpu.transpose %slice3A_362, [1, 0] : vector<256x32xf32> -> vector<32x256xf32>
    %swap3A_364 = arith.constant 22 : index
    %swap3A_365 = arith.constant 0 : index
    %swap3A_366 = arith.constant 0 : index
    %swap3A_367 = vector.load %arg4[%swap3A_364, %swap3A_365, %swap3A_366] : memref<50x32x256xf32, #tpu.memory_space<vmem>>, vector<1x32x256xf32>
    %swap3A_368 = vector.shape_cast %swap3A_367 : vector<1x32x256xf32> to vector<32x256xf32>
    %swap3A_369 = vector.shape_cast %transpose3A_363 : vector<32x256xf32> to vector<1x32x256xf32>
    tpu.vector_store %arg4[%swap3A_364, %swap3A_365, %swap3A_366], %swap3A_369 {strides = array<i32>} : memref<50x32x256xf32, #tpu.memory_space<vmem>>, vector<1x32x256xf32>,
    %slice3A_370 = vector.extract_strided_slice %get3A_1 {offsets = [0, 736], sizes = [256, 32], strides = [1, 1]} : vector<256x1600xf32> to vector<256x32xf32>
    %transpose3A_371 = tpu.transpose %slice3A_370, [1, 0] : vector<256x32xf32> -> vector<32x256xf32>
    %swap3A_372 = arith.constant 23 : index
    %swap3A_373 = arith.constant 0 : index
    %swap3A_374 = arith.constant 0 : index
    %swap3A_375 = vector.load %arg3[%swap3A_372, %swap3A_373, %swap3A_374] : memref<50x32x256xf32, #tpu.memory_space<vmem>>, vector<1x32x256xf32>
    %swap3A_376 = vector.shape_cast %swap3A_375 : vector<1x32x256xf32> to vector<32x256xf32>
    %swap3A_377 = vector.shape_cast %transpose3A_371 : vector<32x256xf32> to vector<1x32x256xf32>
    tpu.vector_store %arg3[%swap3A_372, %swap3A_373, %swap3A_374], %swap3A_377 {strides = array<i32>} : memref<50x32x256xf32, #tpu.memory_space<vmem>>, vector<1x32x256xf32>,
    %slice3A_378 = vector.extract_strided_slice %get3A_4 {offsets = [0, 736], sizes = [256, 32], strides = [1, 1]} : vector<256x1600xf32> to vector<256x32xf32>
    %transpose3A_379 = tpu.transpose %slice3A_378, [1, 0] : vector<256x32xf32> -> vector<32x256xf32>
    %swap3A_380 = arith.constant 23 : index
    %swap3A_381 = arith.constant 0 : index
    %swap3A_382 = arith.constant 0 : index
    %swap3A_383 = vector.load %arg4[%swap3A_380, %swap3A_381, %swap3A_382] : memref<50x32x256xf32, #tpu.memory_space<vmem>>, vector<1x32x256xf32>
    %swap3A_384 = vector.shape_cast %swap3A_383 : vector<1x32x256xf32> to vector<32x256xf32>
    %swap3A_385 = vector.shape_cast %transpose3A_379 : vector<32x256xf32> to vector<1x32x256xf32>
    tpu.vector_store %arg4[%swap3A_380, %swap3A_381, %swap3A_382], %swap3A_385 {strides = array<i32>} : memref<50x32x256xf32, #tpu.memory_space<vmem>>, vector<1x32x256xf32>,
    %slice3A_386 = vector.extract_strided_slice %get3A_1 {offsets = [0, 768], sizes = [256, 32], strides = [1, 1]} : vector<256x1600xf32> to vector<256x32xf32>
    %transpose3A_387 = tpu.transpose %slice3A_386, [1, 0] : vector<256x32xf32> -> vector<32x256xf32>
    %swap3A_388 = arith.constant 24 : index
    %swap3A_389 = arith.constant 0 : index
    %swap3A_390 = arith.constant 0 : index
    %swap3A_391 = vector.load %arg3[%swap3A_388, %swap3A_389, %swap3A_390] : memref<50x32x256xf32, #tpu.memory_space<vmem>>, vector<1x32x256xf32>
    %swap3A_392 = vector.shape_cast %swap3A_391 : vector<1x32x256xf32> to vector<32x256xf32>
    %swap3A_393 = vector.shape_cast %transpose3A_387 : vector<32x256xf32> to vector<1x32x256xf32>
    tpu.vector_store %arg3[%swap3A_388, %swap3A_389, %swap3A_390], %swap3A_393 {strides = array<i32>} : memref<50x32x256xf32, #tpu.memory_space<vmem>>, vector<1x32x256xf32>,
    %slice3A_394 = vector.extract_strided_slice %get3A_4 {offsets = [0, 768], sizes = [256, 32], strides = [1, 1]} : vector<256x1600xf32> to vector<256x32xf32>
    %transpose3A_395 = tpu.transpose %slice3A_394, [1, 0] : vector<256x32xf32> -> vector<32x256xf32>
    %swap3A_396 = arith.constant 24 : index
    %swap3A_397 = arith.constant 0 : index
    %swap3A_398 = arith.constant 0 : index
    %swap3A_399 = vector.load %arg4[%swap3A_396, %swap3A_397, %swap3A_398] : memref<50x32x256xf32, #tpu.memory_space<vmem>>, vector<1x32x256xf32>
    %swap3A_400 = vector.shape_cast %swap3A_399 : vector<1x32x256xf32> to vector<32x256xf32>
    %swap3A_401 = vector.shape_cast %transpose3A_395 : vector<32x256xf32> to vector<1x32x256xf32>
    tpu.vector_store %arg4[%swap3A_396, %swap3A_397, %swap3A_398], %swap3A_401 {strides = array<i32>} : memref<50x32x256xf32, #tpu.memory_space<vmem>>, vector<1x32x256xf32>,
    %slice3A_402 = vector.extract_strided_slice %get3A_1 {offsets = [0, 800], sizes = [256, 32], strides = [1, 1]} : vector<256x1600xf32> to vector<256x32xf32>
    %transpose3A_403 = tpu.transpose %slice3A_402, [1, 0] : vector<256x32xf32> -> vector<32x256xf32>
    %swap3A_404 = arith.constant 25 : index
    %swap3A_405 = arith.constant 0 : index
    %swap3A_406 = arith.constant 0 : index
    %swap3A_407 = vector.load %arg3[%swap3A_404, %swap3A_405, %swap3A_406] : memref<50x32x256xf32, #tpu.memory_space<vmem>>, vector<1x32x256xf32>
    %swap3A_408 = vector.shape_cast %swap3A_407 : vector<1x32x256xf32> to vector<32x256xf32>
    %swap3A_409 = vector.shape_cast %transpose3A_403 : vector<32x256xf32> to vector<1x32x256xf32>
    tpu.vector_store %arg3[%swap3A_404, %swap3A_405, %swap3A_406], %swap3A_409 {strides = array<i32>} : memref<50x32x256xf32, #tpu.memory_space<vmem>>, vector<1x32x256xf32>,
    %slice3A_410 = vector.extract_strided_slice %get3A_4 {offsets = [0, 800], sizes = [256, 32], strides = [1, 1]} : vector<256x1600xf32> to vector<256x32xf32>
    %transpose3A_411 = tpu.transpose %slice3A_410, [1, 0] : vector<256x32xf32> -> vector<32x256xf32>
    %swap3A_412 = arith.constant 25 : index
    %swap3A_413 = arith.constant 0 : index
    %swap3A_414 = arith.constant 0 : index
    %swap3A_415 = vector.load %arg4[%swap3A_412, %swap3A_413, %swap3A_414] : memref<50x32x256xf32, #tpu.memory_space<vmem>>, vector<1x32x256xf32>
    %swap3A_416 = vector.shape_cast %swap3A_415 : vector<1x32x256xf32> to vector<32x256xf32>
    %swap3A_417 = vector.shape_cast %transpose3A_411 : vector<32x256xf32> to vector<1x32x256xf32>
    tpu.vector_store %arg4[%swap3A_412, %swap3A_413, %swap3A_414], %swap3A_417 {strides = array<i32>} : memref<50x32x256xf32, #tpu.memory_space<vmem>>, vector<1x32x256xf32>,
    %slice3A_418 = vector.extract_strided_slice %get3A_1 {offsets = [0, 832], sizes = [256, 32], strides = [1, 1]} : vector<256x1600xf32> to vector<256x32xf32>
    %transpose3A_419 = tpu.transpose %slice3A_418, [1, 0] : vector<256x32xf32> -> vector<32x256xf32>
    %swap3A_420 = arith.constant 26 : index
    %swap3A_421 = arith.constant 0 : index
    %swap3A_422 = arith.constant 0 : index
    %swap3A_423 = vector.load %arg3[%swap3A_420, %swap3A_421, %swap3A_422] : memref<50x32x256xf32, #tpu.memory_space<vmem>>, vector<1x32x256xf32>
    %swap3A_424 = vector.shape_cast %swap3A_423 : vector<1x32x256xf32> to vector<32x256xf32>
    %swap3A_425 = vector.shape_cast %transpose3A_419 : vector<32x256xf32> to vector<1x32x256xf32>
    tpu.vector_store %arg3[%swap3A_420, %swap3A_421, %swap3A_422], %swap3A_425 {strides = array<i32>} : memref<50x32x256xf32, #tpu.memory_space<vmem>>, vector<1x32x256xf32>,
    %slice3A_426 = vector.extract_strided_slice %get3A_4 {offsets = [0, 832], sizes = [256, 32], strides = [1, 1]} : vector<256x1600xf32> to vector<256x32xf32>
    %transpose3A_427 = tpu.transpose %slice3A_426, [1, 0] : vector<256x32xf32> -> vector<32x256xf32>
    %swap3A_428 = arith.constant 26 : index
    %swap3A_429 = arith.constant 0 : index
    %swap3A_430 = arith.constant 0 : index
    %swap3A_431 = vector.load %arg4[%swap3A_428, %swap3A_429, %swap3A_430] : memref<50x32x256xf32, #tpu.memory_space<vmem>>, vector<1x32x256xf32>
    %swap3A_432 = vector.shape_cast %swap3A_431 : vector<1x32x256xf32> to vector<32x256xf32>
    %swap3A_433 = vector.shape_cast %transpose3A_427 : vector<32x256xf32> to vector<1x32x256xf32>
    tpu.vector_store %arg4[%swap3A_428, %swap3A_429, %swap3A_430], %swap3A_433 {strides = array<i32>} : memref<50x32x256xf32, #tpu.memory_space<vmem>>, vector<1x32x256xf32>,
    %slice3A_434 = vector.extract_strided_slice %get3A_1 {offsets = [0, 864], sizes = [256, 32], strides = [1, 1]} : vector<256x1600xf32> to vector<256x32xf32>
    %transpose3A_435 = tpu.transpose %slice3A_434, [1, 0] : vector<256x32xf32> -> vector<32x256xf32>
    %swap3A_436 = arith.constant 27 : index
    %swap3A_437 = arith.constant 0 : index
    %swap3A_438 = arith.constant 0 : index
    %swap3A_439 = vector.load %arg3[%swap3A_436, %swap3A_437, %swap3A_438] : memref<50x32x256xf32, #tpu.memory_space<vmem>>, vector<1x32x256xf32>
    %swap3A_440 = vector.shape_cast %swap3A_439 : vector<1x32x256xf32> to vector<32x256xf32>
    %swap3A_441 = vector.shape_cast %transpose3A_435 : vector<32x256xf32> to vector<1x32x256xf32>
    tpu.vector_store %arg3[%swap3A_436, %swap3A_437, %swap3A_438], %swap3A_441 {strides = array<i32>} : memref<50x32x256xf32, #tpu.memory_space<vmem>>, vector<1x32x256xf32>,
    %slice3A_442 = vector.extract_strided_slice %get3A_4 {offsets = [0, 864], sizes = [256, 32], strides = [1, 1]} : vector<256x1600xf32> to vector<256x32xf32>
    %transpose3A_443 = tpu.transpose %slice3A_442, [1, 0] : vector<256x32xf32> -> vector<32x256xf32>
    %swap3A_444 = arith.constant 27 : index
    %swap3A_445 = arith.constant 0 : index
    %swap3A_446 = arith.constant 0 : index
    %swap3A_447 = vector.load %arg4[%swap3A_444, %swap3A_445, %swap3A_446] : memref<50x32x256xf32, #tpu.memory_space<vmem>>, vector<1x32x256xf32>
    %swap3A_448 = vector.shape_cast %swap3A_447 : vector<1x32x256xf32> to vector<32x256xf32>
    %swap3A_449 = vector.shape_cast %transpose3A_443 : vector<32x256xf32> to vector<1x32x256xf32>
    tpu.vector_store %arg4[%swap3A_444, %swap3A_445, %swap3A_446], %swap3A_449 {strides = array<i32>} : memref<50x32x256xf32, #tpu.memory_space<vmem>>, vector<1x32x256xf32>,
    %slice3A_450 = vector.extract_strided_slice %get3A_1 {offsets = [0, 896], sizes = [256, 32], strides = [1, 1]} : vector<256x1600xf32> to vector<256x32xf32>
    %transpose3A_451 = tpu.transpose %slice3A_450, [1, 0] : vector<256x32xf32> -> vector<32x256xf32>
    %swap3A_452 = arith.constant 28 : index
    %swap3A_453 = arith.constant 0 : index
    %swap3A_454 = arith.constant 0 : index
    %swap3A_455 = vector.load %arg3[%swap3A_452, %swap3A_453, %swap3A_454] : memref<50x32x256xf32, #tpu.memory_space<vmem>>, vector<1x32x256xf32>
    %swap3A_456 = vector.shape_cast %swap3A_455 : vector<1x32x256xf32> to vector<32x256xf32>
    %swap3A_457 = vector.shape_cast %transpose3A_451 : vector<32x256xf32> to vector<1x32x256xf32>
    tpu.vector_store %arg3[%swap3A_452, %swap3A_453, %swap3A_454], %swap3A_457 {strides = array<i32>} : memref<50x32x256xf32, #tpu.memory_space<vmem>>, vector<1x32x256xf32>,
    %slice3A_458 = vector.extract_strided_slice %get3A_4 {offsets = [0, 896], sizes = [256, 32], strides = [1, 1]} : vector<256x1600xf32> to vector<256x32xf32>
    %transpose3A_459 = tpu.transpose %slice3A_458, [1, 0] : vector<256x32xf32> -> vector<32x256xf32>
    %swap3A_460 = arith.constant 28 : index
    %swap3A_461 = arith.constant 0 : index
    %swap3A_462 = arith.constant 0 : index
    %swap3A_463 = vector.load %arg4[%swap3A_460, %swap3A_461, %swap3A_462] : memref<50x32x256xf32, #tpu.memory_space<vmem>>, vector<1x32x256xf32>
    %swap3A_464 = vector.shape_cast %swap3A_463 : vector<1x32x256xf32> to vector<32x256xf32>
    %swap3A_465 = vector.shape_cast %transpose3A_459 : vector<32x256xf32> to vector<1x32x256xf32>
    tpu.vector_store %arg4[%swap3A_460, %swap3A_461, %swap3A_462], %swap3A_465 {strides = array<i32>} : memref<50x32x256xf32, #tpu.memory_space<vmem>>, vector<1x32x256xf32>,
    %slice3A_466 = vector.extract_strided_slice %get3A_1 {offsets = [0, 928], sizes = [256, 32], strides = [1, 1]} : vector<256x1600xf32> to vector<256x32xf32>
    %transpose3A_467 = tpu.transpose %slice3A_466, [1, 0] : vector<256x32xf32> -> vector<32x256xf32>
    %swap3A_468 = arith.constant 29 : index
    %swap3A_469 = arith.constant 0 : index
    %swap3A_470 = arith.constant 0 : index
    %swap3A_471 = vector.load %arg3[%swap3A_468, %swap3A_469, %swap3A_470] : memref<50x32x256xf32, #tpu.memory_space<vmem>>, vector<1x32x256xf32>
    %swap3A_472 = vector.shape_cast %swap3A_471 : vector<1x32x256xf32> to vector<32x256xf32>
    %swap3A_473 = vector.shape_cast %transpose3A_467 : vector<32x256xf32> to vector<1x32x256xf32>
    tpu.vector_store %arg3[%swap3A_468, %swap3A_469, %swap3A_470], %swap3A_473 {strides = array<i32>} : memref<50x32x256xf32, #tpu.memory_space<vmem>>, vector<1x32x256xf32>,
    %slice3A_474 = vector.extract_strided_slice %get3A_4 {offsets = [0, 928], sizes = [256, 32], strides = [1, 1]} : vector<256x1600xf32> to vector<256x32xf32>
    %transpose3A_475 = tpu.transpose %slice3A_474, [1, 0] : vector<256x32xf32> -> vector<32x256xf32>
    %swap3A_476 = arith.constant 29 : index
    %swap3A_477 = arith.constant 0 : index
    %swap3A_478 = arith.constant 0 : index
    %swap3A_479 = vector.load %arg4[%swap3A_476, %swap3A_477, %swap3A_478] : memref<50x32x256xf32, #tpu.memory_space<vmem>>, vector<1x32x256xf32>
    %swap3A_480 = vector.shape_cast %swap3A_479 : vector<1x32x256xf32> to vector<32x256xf32>
    %swap3A_481 = vector.shape_cast %transpose3A_475 : vector<32x256xf32> to vector<1x32x256xf32>
    tpu.vector_store %arg4[%swap3A_476, %swap3A_477, %swap3A_478], %swap3A_481 {strides = array<i32>} : memref<50x32x256xf32, #tpu.memory_space<vmem>>, vector<1x32x256xf32>,
    %slice3A_482 = vector.extract_strided_slice %get3A_1 {offsets = [0, 960], sizes = [256, 32], strides = [1, 1]} : vector<256x1600xf32> to vector<256x32xf32>
    %transpose3A_483 = tpu.transpose %slice3A_482, [1, 0] : vector<256x32xf32> -> vector<32x256xf32>
    %swap3A_484 = arith.constant 30 : index
    %swap3A_485 = arith.constant 0 : index
    %swap3A_486 = arith.constant 0 : index
    %swap3A_487 = vector.load %arg3[%swap3A_484, %swap3A_485, %swap3A_486] : memref<50x32x256xf32, #tpu.memory_space<vmem>>, vector<1x32x256xf32>
    %swap3A_488 = vector.shape_cast %swap3A_487 : vector<1x32x256xf32> to vector<32x256xf32>
    %swap3A_489 = vector.shape_cast %transpose3A_483 : vector<32x256xf32> to vector<1x32x256xf32>
    tpu.vector_store %arg3[%swap3A_484, %swap3A_485, %swap3A_486], %swap3A_489 {strides = array<i32>} : memref<50x32x256xf32, #tpu.memory_space<vmem>>, vector<1x32x256xf32>,
    %slice3A_490 = vector.extract_strided_slice %get3A_4 {offsets = [0, 960], sizes = [256, 32], strides = [1, 1]} : vector<256x1600xf32> to vector<256x32xf32>
    %transpose3A_491 = tpu.transpose %slice3A_490, [1, 0] : vector<256x32xf32> -> vector<32x256xf32>
    %swap3A_492 = arith.constant 30 : index
    %swap3A_493 = arith.constant 0 : index
    %swap3A_494 = arith.constant 0 : index
    %swap3A_495 = vector.load %arg4[%swap3A_492, %swap3A_493, %swap3A_494] : memref<50x32x256xf32, #tpu.memory_space<vmem>>, vector<1x32x256xf32>
    %swap3A_496 = vector.shape_cast %swap3A_495 : vector<1x32x256xf32> to vector<32x256xf32>
    %swap3A_497 = vector.shape_cast %transpose3A_491 : vector<32x256xf32> to vector<1x32x256xf32>
    tpu.vector_store %arg4[%swap3A_492, %swap3A_493, %swap3A_494], %swap3A_497 {strides = array<i32>} : memref<50x32x256xf32, #tpu.memory_space<vmem>>, vector<1x32x256xf32>,
    %slice3A_498 = vector.extract_strided_slice %get3A_1 {offsets = [0, 992], sizes = [256, 32], strides = [1, 1]} : vector<256x1600xf32> to vector<256x32xf32>
    %transpose3A_499 = tpu.transpose %slice3A_498, [1, 0] : vector<256x32xf32> -> vector<32x256xf32>
    %swap3A_500 = arith.constant 31 : index
    %swap3A_501 = arith.constant 0 : index
    %swap3A_502 = arith.constant 0 : index
    %swap3A_503 = vector.load %arg3[%swap3A_500, %swap3A_501, %swap3A_502] : memref<50x32x256xf32, #tpu.memory_space<vmem>>, vector<1x32x256xf32>
    %swap3A_504 = vector.shape_cast %swap3A_503 : vector<1x32x256xf32> to vector<32x256xf32>
    %swap3A_505 = vector.shape_cast %transpose3A_499 : vector<32x256xf32> to vector<1x32x256xf32>
    tpu.vector_store %arg3[%swap3A_500, %swap3A_501, %swap3A_502], %swap3A_505 {strides = array<i32>} : memref<50x32x256xf32, #tpu.memory_space<vmem>>, vector<1x32x256xf32>,
    %slice3A_506 = vector.extract_strided_slice %get3A_4 {offsets = [0, 992], sizes = [256, 32], strides = [1, 1]} : vector<256x1600xf32> to vector<256x32xf32>
    %transpose3A_507 = tpu.transpose %slice3A_506, [1, 0] : vector<256x32xf32> -> vector<32x256xf32>
    %swap3A_508 = arith.constant 31 : index
    %swap3A_509 = arith.constant 0 : index
    %swap3A_510 = arith.constant 0 : index
    %swap3A_511 = vector.load %arg4[%swap3A_508, %swap3A_509, %swap3A_510] : memref<50x32x256xf32, #tpu.memory_space<vmem>>, vector<1x32x256xf32>
    %swap3A_512 = vector.shape_cast %swap3A_511 : vector<1x32x256xf32> to vector<32x256xf32>
    %swap3A_513 = vector.shape_cast %transpose3A_507 : vector<32x256xf32> to vector<1x32x256xf32>
    tpu.vector_store %arg4[%swap3A_508, %swap3A_509, %swap3A_510], %swap3A_513 {strides = array<i32>} : memref<50x32x256xf32, #tpu.memory_space<vmem>>, vector<1x32x256xf32>,
    %slice3A_514 = vector.extract_strided_slice %get3A_1 {offsets = [0, 1024], sizes = [256, 32], strides = [1, 1]} : vector<256x1600xf32> to vector<256x32xf32>
    %transpose3A_515 = tpu.transpose %slice3A_514, [1, 0] : vector<256x32xf32> -> vector<32x256xf32>
    %swap3A_516 = arith.constant 32 : index
    %swap3A_517 = arith.constant 0 : index
    %swap3A_518 = arith.constant 0 : index
    %swap3A_519 = vector.load %arg3[%swap3A_516, %swap3A_517, %swap3A_518] : memref<50x32x256xf32, #tpu.memory_space<vmem>>, vector<1x32x256xf32>
    %swap3A_520 = vector.shape_cast %swap3A_519 : vector<1x32x256xf32> to vector<32x256xf32>
    %swap3A_521 = vector.shape_cast %transpose3A_515 : vector<32x256xf32> to vector<1x32x256xf32>
    tpu.vector_store %arg3[%swap3A_516, %swap3A_517, %swap3A_518], %swap3A_521 {strides = array<i32>} : memref<50x32x256xf32, #tpu.memory_space<vmem>>, vector<1x32x256xf32>,
    %slice3A_522 = vector.extract_strided_slice %get3A_4 {offsets = [0, 1024], sizes = [256, 32], strides = [1, 1]} : vector<256x1600xf32> to vector<256x32xf32>
    %transpose3A_523 = tpu.transpose %slice3A_522, [1, 0] : vector<256x32xf32> -> vector<32x256xf32>
    %swap3A_524 = arith.constant 32 : index
    %swap3A_525 = arith.constant 0 : index
    %swap3A_526 = arith.constant 0 : index
    %swap3A_527 = vector.load %arg4[%swap3A_524, %swap3A_525, %swap3A_526] : memref<50x32x256xf32, #tpu.memory_space<vmem>>, vector<1x32x256xf32>
    %swap3A_528 = vector.shape_cast %swap3A_527 : vector<1x32x256xf32> to vector<32x256xf32>
    %swap3A_529 = vector.shape_cast %transpose3A_523 : vector<32x256xf32> to vector<1x32x256xf32>
    tpu.vector_store %arg4[%swap3A_524, %swap3A_525, %swap3A_526], %swap3A_529 {strides = array<i32>} : memref<50x32x256xf32, #tpu.memory_space<vmem>>, vector<1x32x256xf32>,
    %slice3A_530 = vector.extract_strided_slice %get3A_1 {offsets = [0, 1056], sizes = [256, 32], strides = [1, 1]} : vector<256x1600xf32> to vector<256x32xf32>
    %transpose3A_531 = tpu.transpose %slice3A_530, [1, 0] : vector<256x32xf32> -> vector<32x256xf32>
    %swap3A_532 = arith.constant 33 : index
    %swap3A_533 = arith.constant 0 : index
    %swap3A_534 = arith.constant 0 : index
    %swap3A_535 = vector.load %arg3[%swap3A_532, %swap3A_533, %swap3A_534] : memref<50x32x256xf32, #tpu.memory_space<vmem>>, vector<1x32x256xf32>
    %swap3A_536 = vector.shape_cast %swap3A_535 : vector<1x32x256xf32> to vector<32x256xf32>
    %swap3A_537 = vector.shape_cast %transpose3A_531 : vector<32x256xf32> to vector<1x32x256xf32>
    tpu.vector_store %arg3[%swap3A_532, %swap3A_533, %swap3A_534], %swap3A_537 {strides = array<i32>} : memref<50x32x256xf32, #tpu.memory_space<vmem>>, vector<1x32x256xf32>,
    %slice3A_538 = vector.extract_strided_slice %get3A_4 {offsets = [0, 1056], sizes = [256, 32], strides = [1, 1]} : vector<256x1600xf32> to vector<256x32xf32>
    %transpose3A_539 = tpu.transpose %slice3A_538, [1, 0] : vector<256x32xf32> -> vector<32x256xf32>
    %swap3A_540 = arith.constant 33 : index
    %swap3A_541 = arith.constant 0 : index
    %swap3A_542 = arith.constant 0 : index
    %swap3A_543 = vector.load %arg4[%swap3A_540, %swap3A_541, %swap3A_542] : memref<50x32x256xf32, #tpu.memory_space<vmem>>, vector<1x32x256xf32>
    %swap3A_544 = vector.shape_cast %swap3A_543 : vector<1x32x256xf32> to vector<32x256xf32>
    %swap3A_545 = vector.shape_cast %transpose3A_539 : vector<32x256xf32> to vector<1x32x256xf32>
    tpu.vector_store %arg4[%swap3A_540, %swap3A_541, %swap3A_542], %swap3A_545 {strides = array<i32>} : memref<50x32x256xf32, #tpu.memory_space<vmem>>, vector<1x32x256xf32>,
    %slice3A_546 = vector.extract_strided_slice %get3A_1 {offsets = [0, 1088], sizes = [256, 32], strides = [1, 1]} : vector<256x1600xf32> to vector<256x32xf32>
    %transpose3A_547 = tpu.transpose %slice3A_546, [1, 0] : vector<256x32xf32> -> vector<32x256xf32>
    %swap3A_548 = arith.constant 34 : index
    %swap3A_549 = arith.constant 0 : index
    %swap3A_550 = arith.constant 0 : index
    %swap3A_551 = vector.load %arg3[%swap3A_548, %swap3A_549, %swap3A_550] : memref<50x32x256xf32, #tpu.memory_space<vmem>>, vector<1x32x256xf32>
    %swap3A_552 = vector.shape_cast %swap3A_551 : vector<1x32x256xf32> to vector<32x256xf32>
    %swap3A_553 = vector.shape_cast %transpose3A_547 : vector<32x256xf32> to vector<1x32x256xf32>
    tpu.vector_store %arg3[%swap3A_548, %swap3A_549, %swap3A_550], %swap3A_553 {strides = array<i32>} : memref<50x32x256xf32, #tpu.memory_space<vmem>>, vector<1x32x256xf32>,
    %slice3A_554 = vector.extract_strided_slice %get3A_4 {offsets = [0, 1088], sizes = [256, 32], strides = [1, 1]} : vector<256x1600xf32> to vector<256x32xf32>
    %transpose3A_555 = tpu.transpose %slice3A_554, [1, 0] : vector<256x32xf32> -> vector<32x256xf32>
    %swap3A_556 = arith.constant 34 : index
    %swap3A_557 = arith.constant 0 : index
    %swap3A_558 = arith.constant 0 : index
    %swap3A_559 = vector.load %arg4[%swap3A_556, %swap3A_557, %swap3A_558] : memref<50x32x256xf32, #tpu.memory_space<vmem>>, vector<1x32x256xf32>
    %swap3A_560 = vector.shape_cast %swap3A_559 : vector<1x32x256xf32> to vector<32x256xf32>
    %swap3A_561 = vector.shape_cast %transpose3A_555 : vector<32x256xf32> to vector<1x32x256xf32>
    tpu.vector_store %arg4[%swap3A_556, %swap3A_557, %swap3A_558], %swap3A_561 {strides = array<i32>} : memref<50x32x256xf32, #tpu.memory_space<vmem>>, vector<1x32x256xf32>,
    %slice3A_562 = vector.extract_strided_slice %get3A_1 {offsets = [0, 1120], sizes = [256, 32], strides = [1, 1]} : vector<256x1600xf32> to vector<256x32xf32>
    %transpose3A_563 = tpu.transpose %slice3A_562, [1, 0] : vector<256x32xf32> -> vector<32x256xf32>
    %swap3A_564 = arith.constant 35 : index
    %swap3A_565 = arith.constant 0 : index
    %swap3A_566 = arith.constant 0 : index
    %swap3A_567 = vector.load %arg3[%swap3A_564, %swap3A_565, %swap3A_566] : memref<50x32x256xf32, #tpu.memory_space<vmem>>, vector<1x32x256xf32>
    %swap3A_568 = vector.shape_cast %swap3A_567 : vector<1x32x256xf32> to vector<32x256xf32>
    %swap3A_569 = vector.shape_cast %transpose3A_563 : vector<32x256xf32> to vector<1x32x256xf32>
    tpu.vector_store %arg3[%swap3A_564, %swap3A_565, %swap3A_566], %swap3A_569 {strides = array<i32>} : memref<50x32x256xf32, #tpu.memory_space<vmem>>, vector<1x32x256xf32>,
    %slice3A_570 = vector.extract_strided_slice %get3A_4 {offsets = [0, 1120], sizes = [256, 32], strides = [1, 1]} : vector<256x1600xf32> to vector<256x32xf32>
    %transpose3A_571 = tpu.transpose %slice3A_570, [1, 0] : vector<256x32xf32> -> vector<32x256xf32>
    %swap3A_572 = arith.constant 35 : index
    %swap3A_573 = arith.constant 0 : index
    %swap3A_574 = arith.constant 0 : index
    %swap3A_575 = vector.load %arg4[%swap3A_572, %swap3A_573, %swap3A_574] : memref<50x32x256xf32, #tpu.memory_space<vmem>>, vector<1x32x256xf32>
    %swap3A_576 = vector.shape_cast %swap3A_575 : vector<1x32x256xf32> to vector<32x256xf32>
    %swap3A_577 = vector.shape_cast %transpose3A_571 : vector<32x256xf32> to vector<1x32x256xf32>
    tpu.vector_store %arg4[%swap3A_572, %swap3A_573, %swap3A_574], %swap3A_577 {strides = array<i32>} : memref<50x32x256xf32, #tpu.memory_space<vmem>>, vector<1x32x256xf32>,
    %slice3A_578 = vector.extract_strided_slice %get3A_1 {offsets = [0, 1152], sizes = [256, 32], strides = [1, 1]} : vector<256x1600xf32> to vector<256x32xf32>
    %transpose3A_579 = tpu.transpose %slice3A_578, [1, 0] : vector<256x32xf32> -> vector<32x256xf32>
    %swap3A_580 = arith.constant 36 : index
    %swap3A_581 = arith.constant 0 : index
    %swap3A_582 = arith.constant 0 : index
    %swap3A_583 = vector.load %arg3[%swap3A_580, %swap3A_581, %swap3A_582] : memref<50x32x256xf32, #tpu.memory_space<vmem>>, vector<1x32x256xf32>
    %swap3A_584 = vector.shape_cast %swap3A_583 : vector<1x32x256xf32> to vector<32x256xf32>
    %swap3A_585 = vector.shape_cast %transpose3A_579 : vector<32x256xf32> to vector<1x32x256xf32>
    tpu.vector_store %arg3[%swap3A_580, %swap3A_581, %swap3A_582], %swap3A_585 {strides = array<i32>} : memref<50x32x256xf32, #tpu.memory_space<vmem>>, vector<1x32x256xf32>,
    %slice3A_586 = vector.extract_strided_slice %get3A_4 {offsets = [0, 1152], sizes = [256, 32], strides = [1, 1]} : vector<256x1600xf32> to vector<256x32xf32>
    %transpose3A_587 = tpu.transpose %slice3A_586, [1, 0] : vector<256x32xf32> -> vector<32x256xf32>
    %swap3A_588 = arith.constant 36 : index
    %swap3A_589 = arith.constant 0 : index
    %swap3A_590 = arith.constant 0 : index
    %swap3A_591 = vector.load %arg4[%swap3A_588, %swap3A_589, %swap3A_590] : memref<50x32x256xf32, #tpu.memory_space<vmem>>, vector<1x32x256xf32>
    %swap3A_592 = vector.shape_cast %swap3A_591 : vector<1x32x256xf32> to vector<32x256xf32>
    %swap3A_593 = vector.shape_cast %transpose3A_587 : vector<32x256xf32> to vector<1x32x256xf32>
    tpu.vector_store %arg4[%swap3A_588, %swap3A_589, %swap3A_590], %swap3A_593 {strides = array<i32>} : memref<50x32x256xf32, #tpu.memory_space<vmem>>, vector<1x32x256xf32>,
    %slice3A_594 = vector.extract_strided_slice %get3A_1 {offsets = [0, 1184], sizes = [256, 32], strides = [1, 1]} : vector<256x1600xf32> to vector<256x32xf32>
    %transpose3A_595 = tpu.transpose %slice3A_594, [1, 0] : vector<256x32xf32> -> vector<32x256xf32>
    %swap3A_596 = arith.constant 37 : index
    %swap3A_597 = arith.constant 0 : index
    %swap3A_598 = arith.constant 0 : index
    %swap3A_599 = vector.load %arg3[%swap3A_596, %swap3A_597, %swap3A_598] : memref<50x32x256xf32, #tpu.memory_space<vmem>>, vector<1x32x256xf32>
    %swap3A_600 = vector.shape_cast %swap3A_599 : vector<1x32x256xf32> to vector<32x256xf32>
    %swap3A_601 = vector.shape_cast %transpose3A_595 : vector<32x256xf32> to vector<1x32x256xf32>
    tpu.vector_store %arg3[%swap3A_596, %swap3A_597, %swap3A_598], %swap3A_601 {strides = array<i32>} : memref<50x32x256xf32, #tpu.memory_space<vmem>>, vector<1x32x256xf32>,
    %slice3A_602 = vector.extract_strided_slice %get3A_4 {offsets = [0, 1184], sizes = [256, 32], strides = [1, 1]} : vector<256x1600xf32> to vector<256x32xf32>
    %transpose3A_603 = tpu.transpose %slice3A_602, [1, 0] : vector<256x32xf32> -> vector<32x256xf32>
    %swap3A_604 = arith.constant 37 : index
    %swap3A_605 = arith.constant 0 : index
    %swap3A_606 = arith.constant 0 : index
    %swap3A_607 = vector.load %arg4[%swap3A_604, %swap3A_605, %swap3A_606] : memref<50x32x256xf32, #tpu.memory_space<vmem>>, vector<1x32x256xf32>
    %swap3A_608 = vector.shape_cast %swap3A_607 : vector<1x32x256xf32> to vector<32x256xf32>
    %swap3A_609 = vector.shape_cast %transpose3A_603 : vector<32x256xf32> to vector<1x32x256xf32>
    tpu.vector_store %arg4[%swap3A_604, %swap3A_605, %swap3A_606], %swap3A_609 {strides = array<i32>} : memref<50x32x256xf32, #tpu.memory_space<vmem>>, vector<1x32x256xf32>,
    %slice3A_610 = vector.extract_strided_slice %get3A_1 {offsets = [0, 1216], sizes = [256, 32], strides = [1, 1]} : vector<256x1600xf32> to vector<256x32xf32>
    %transpose3A_611 = tpu.transpose %slice3A_610, [1, 0] : vector<256x32xf32> -> vector<32x256xf32>
    %swap3A_612 = arith.constant 38 : index
    %swap3A_613 = arith.constant 0 : index
    %swap3A_614 = arith.constant 0 : index
    %swap3A_615 = vector.load %arg3[%swap3A_612, %swap3A_613, %swap3A_614] : memref<50x32x256xf32, #tpu.memory_space<vmem>>, vector<1x32x256xf32>
    %swap3A_616 = vector.shape_cast %swap3A_615 : vector<1x32x256xf32> to vector<32x256xf32>
    %swap3A_617 = vector.shape_cast %transpose3A_611 : vector<32x256xf32> to vector<1x32x256xf32>
    tpu.vector_store %arg3[%swap3A_612, %swap3A_613, %swap3A_614], %swap3A_617 {strides = array<i32>} : memref<50x32x256xf32, #tpu.memory_space<vmem>>, vector<1x32x256xf32>,
    %slice3A_618 = vector.extract_strided_slice %get3A_4 {offsets = [0, 1216], sizes = [256, 32], strides = [1, 1]} : vector<256x1600xf32> to vector<256x32xf32>
    %transpose3A_619 = tpu.transpose %slice3A_618, [1, 0] : vector<256x32xf32> -> vector<32x256xf32>
    %swap3A_620 = arith.constant 38 : index
    %swap3A_621 = arith.constant 0 : index
    %swap3A_622 = arith.constant 0 : index
    %swap3A_623 = vector.load %arg4[%swap3A_620, %swap3A_621, %swap3A_622] : memref<50x32x256xf32, #tpu.memory_space<vmem>>, vector<1x32x256xf32>
    %swap3A_624 = vector.shape_cast %swap3A_623 : vector<1x32x256xf32> to vector<32x256xf32>
    %swap3A_625 = vector.shape_cast %transpose3A_619 : vector<32x256xf32> to vector<1x32x256xf32>
    tpu.vector_store %arg4[%swap3A_620, %swap3A_621, %swap3A_622], %swap3A_625 {strides = array<i32>} : memref<50x32x256xf32, #tpu.memory_space<vmem>>, vector<1x32x256xf32>,
    %slice3A_626 = vector.extract_strided_slice %get3A_1 {offsets = [0, 1248], sizes = [256, 32], strides = [1, 1]} : vector<256x1600xf32> to vector<256x32xf32>
    %transpose3A_627 = tpu.transpose %slice3A_626, [1, 0] : vector<256x32xf32> -> vector<32x256xf32>
    %swap3A_628 = arith.constant 39 : index
    %swap3A_629 = arith.constant 0 : index
    %swap3A_630 = arith.constant 0 : index
    %swap3A_631 = vector.load %arg3[%swap3A_628, %swap3A_629, %swap3A_630] : memref<50x32x256xf32, #tpu.memory_space<vmem>>, vector<1x32x256xf32>
    %swap3A_632 = vector.shape_cast %swap3A_631 : vector<1x32x256xf32> to vector<32x256xf32>
    %swap3A_633 = vector.shape_cast %transpose3A_627 : vector<32x256xf32> to vector<1x32x256xf32>
    tpu.vector_store %arg3[%swap3A_628, %swap3A_629, %swap3A_630], %swap3A_633 {strides = array<i32>} : memref<50x32x256xf32, #tpu.memory_space<vmem>>, vector<1x32x256xf32>,
    %slice3A_634 = vector.extract_strided_slice %get3A_4 {offsets = [0, 1248], sizes = [256, 32], strides = [1, 1]} : vector<256x1600xf32> to vector<256x32xf32>
    %transpose3A_635 = tpu.transpose %slice3A_634, [1, 0] : vector<256x32xf32> -> vector<32x256xf32>
    %swap3A_636 = arith.constant 39 : index
    %swap3A_637 = arith.constant 0 : index
    %swap3A_638 = arith.constant 0 : index
    %swap3A_639 = vector.load %arg4[%swap3A_636, %swap3A_637, %swap3A_638] : memref<50x32x256xf32, #tpu.memory_space<vmem>>, vector<1x32x256xf32>
    %swap3A_640 = vector.shape_cast %swap3A_639 : vector<1x32x256xf32> to vector<32x256xf32>
    %swap3A_641 = vector.shape_cast %transpose3A_635 : vector<32x256xf32> to vector<1x32x256xf32>
    tpu.vector_store %arg4[%swap3A_636, %swap3A_637, %swap3A_638], %swap3A_641 {strides = array<i32>} : memref<50x32x256xf32, #tpu.memory_space<vmem>>, vector<1x32x256xf32>,
    %slice3A_642 = vector.extract_strided_slice %get3A_1 {offsets = [0, 1280], sizes = [256, 32], strides = [1, 1]} : vector<256x1600xf32> to vector<256x32xf32>
    %transpose3A_643 = tpu.transpose %slice3A_642, [1, 0] : vector<256x32xf32> -> vector<32x256xf32>
    %swap3A_644 = arith.constant 40 : index
    %swap3A_645 = arith.constant 0 : index
    %swap3A_646 = arith.constant 0 : index
    %swap3A_647 = vector.load %arg3[%swap3A_644, %swap3A_645, %swap3A_646] : memref<50x32x256xf32, #tpu.memory_space<vmem>>, vector<1x32x256xf32>
    %swap3A_648 = vector.shape_cast %swap3A_647 : vector<1x32x256xf32> to vector<32x256xf32>
    %swap3A_649 = vector.shape_cast %transpose3A_643 : vector<32x256xf32> to vector<1x32x256xf32>
    tpu.vector_store %arg3[%swap3A_644, %swap3A_645, %swap3A_646], %swap3A_649 {strides = array<i32>} : memref<50x32x256xf32, #tpu.memory_space<vmem>>, vector<1x32x256xf32>,
    %slice3A_650 = vector.extract_strided_slice %get3A_4 {offsets = [0, 1280], sizes = [256, 32], strides = [1, 1]} : vector<256x1600xf32> to vector<256x32xf32>
    %transpose3A_651 = tpu.transpose %slice3A_650, [1, 0] : vector<256x32xf32> -> vector<32x256xf32>
    %swap3A_652 = arith.constant 40 : index
    %swap3A_653 = arith.constant 0 : index
    %swap3A_654 = arith.constant 0 : index
    %swap3A_655 = vector.load %arg4[%swap3A_652, %swap3A_653, %swap3A_654] : memref<50x32x256xf32, #tpu.memory_space<vmem>>, vector<1x32x256xf32>
    %swap3A_656 = vector.shape_cast %swap3A_655 : vector<1x32x256xf32> to vector<32x256xf32>
    %swap3A_657 = vector.shape_cast %transpose3A_651 : vector<32x256xf32> to vector<1x32x256xf32>
    tpu.vector_store %arg4[%swap3A_652, %swap3A_653, %swap3A_654], %swap3A_657 {strides = array<i32>} : memref<50x32x256xf32, #tpu.memory_space<vmem>>, vector<1x32x256xf32>,
    %slice3A_658 = vector.extract_strided_slice %get3A_1 {offsets = [0, 1312], sizes = [256, 32], strides = [1, 1]} : vector<256x1600xf32> to vector<256x32xf32>
    %transpose3A_659 = tpu.transpose %slice3A_658, [1, 0] : vector<256x32xf32> -> vector<32x256xf32>
    %swap3A_660 = arith.constant 41 : index
    %swap3A_661 = arith.constant 0 : index
    %swap3A_662 = arith.constant 0 : index
    %swap3A_663 = vector.load %arg3[%swap3A_660, %swap3A_661, %swap3A_662] : memref<50x32x256xf32, #tpu.memory_space<vmem>>, vector<1x32x256xf32>
    %swap3A_664 = vector.shape_cast %swap3A_663 : vector<1x32x256xf32> to vector<32x256xf32>
    %swap3A_665 = vector.shape_cast %transpose3A_659 : vector<32x256xf32> to vector<1x32x256xf32>
    tpu.vector_store %arg3[%swap3A_660, %swap3A_661, %swap3A_662], %swap3A_665 {strides = array<i32>} : memref<50x32x256xf32, #tpu.memory_space<vmem>>, vector<1x32x256xf32>,
    %slice3A_666 = vector.extract_strided_slice %get3A_4 {offsets = [0, 1312], sizes = [256, 32], strides = [1, 1]} : vector<256x1600xf32> to vector<256x32xf32>
    %transpose3A_667 = tpu.transpose %slice3A_666, [1, 0] : vector<256x32xf32> -> vector<32x256xf32>
    %swap3A_668 = arith.constant 41 : index
    %swap3A_669 = arith.constant 0 : index
    %swap3A_670 = arith.constant 0 : index
    %swap3A_671 = vector.load %arg4[%swap3A_668, %swap3A_669, %swap3A_670] : memref<50x32x256xf32, #tpu.memory_space<vmem>>, vector<1x32x256xf32>
    %swap3A_672 = vector.shape_cast %swap3A_671 : vector<1x32x256xf32> to vector<32x256xf32>
    %swap3A_673 = vector.shape_cast %transpose3A_667 : vector<32x256xf32> to vector<1x32x256xf32>
    tpu.vector_store %arg4[%swap3A_668, %swap3A_669, %swap3A_670], %swap3A_673 {strides = array<i32>} : memref<50x32x256xf32, #tpu.memory_space<vmem>>, vector<1x32x256xf32>,
    %slice3A_674 = vector.extract_strided_slice %get3A_1 {offsets = [0, 1344], sizes = [256, 32], strides = [1, 1]} : vector<256x1600xf32> to vector<256x32xf32>
    %transpose3A_675 = tpu.transpose %slice3A_674, [1, 0] : vector<256x32xf32> -> vector<32x256xf32>
    %swap3A_676 = arith.constant 42 : index
    %swap3A_677 = arith.constant 0 : index
    %swap3A_678 = arith.constant 0 : index
    %swap3A_679 = vector.load %arg3[%swap3A_676, %swap3A_677, %swap3A_678] : memref<50x32x256xf32, #tpu.memory_space<vmem>>, vector<1x32x256xf32>
    %swap3A_680 = vector.shape_cast %swap3A_679 : vector<1x32x256xf32> to vector<32x256xf32>
    %swap3A_681 = vector.shape_cast %transpose3A_675 : vector<32x256xf32> to vector<1x32x256xf32>
    tpu.vector_store %arg3[%swap3A_676, %swap3A_677, %swap3A_678], %swap3A_681 {strides = array<i32>} : memref<50x32x256xf32, #tpu.memory_space<vmem>>, vector<1x32x256xf32>,
    %slice3A_682 = vector.extract_strided_slice %get3A_4 {offsets = [0, 1344], sizes = [256, 32], strides = [1, 1]} : vector<256x1600xf32> to vector<256x32xf32>
    %transpose3A_683 = tpu.transpose %slice3A_682, [1, 0] : vector<256x32xf32> -> vector<32x256xf32>
    %swap3A_684 = arith.constant 42 : index
    %swap3A_685 = arith.constant 0 : index
    %swap3A_686 = arith.constant 0 : index
    %swap3A_687 = vector.load %arg4[%swap3A_684, %swap3A_685, %swap3A_686] : memref<50x32x256xf32, #tpu.memory_space<vmem>>, vector<1x32x256xf32>
    %swap3A_688 = vector.shape_cast %swap3A_687 : vector<1x32x256xf32> to vector<32x256xf32>
    %swap3A_689 = vector.shape_cast %transpose3A_683 : vector<32x256xf32> to vector<1x32x256xf32>
    tpu.vector_store %arg4[%swap3A_684, %swap3A_685, %swap3A_686], %swap3A_689 {strides = array<i32>} : memref<50x32x256xf32, #tpu.memory_space<vmem>>, vector<1x32x256xf32>,
    %slice3A_690 = vector.extract_strided_slice %get3A_1 {offsets = [0, 1376], sizes = [256, 32], strides = [1, 1]} : vector<256x1600xf32> to vector<256x32xf32>
    %transpose3A_691 = tpu.transpose %slice3A_690, [1, 0] : vector<256x32xf32> -> vector<32x256xf32>
    %swap3A_692 = arith.constant 43 : index
    %swap3A_693 = arith.constant 0 : index
    %swap3A_694 = arith.constant 0 : index
    %swap3A_695 = vector.load %arg3[%swap3A_692, %swap3A_693, %swap3A_694] : memref<50x32x256xf32, #tpu.memory_space<vmem>>, vector<1x32x256xf32>
    %swap3A_696 = vector.shape_cast %swap3A_695 : vector<1x32x256xf32> to vector<32x256xf32>
    %swap3A_697 = vector.shape_cast %transpose3A_691 : vector<32x256xf32> to vector<1x32x256xf32>
    tpu.vector_store %arg3[%swap3A_692, %swap3A_693, %swap3A_694], %swap3A_697 {strides = array<i32>} : memref<50x32x256xf32, #tpu.memory_space<vmem>>, vector<1x32x256xf32>,
    %slice3A_698 = vector.extract_strided_slice %get3A_4 {offsets = [0, 1376], sizes = [256, 32], strides = [1, 1]} : vector<256x1600xf32> to vector<256x32xf32>
    %transpose3A_699 = tpu.transpose %slice3A_698, [1, 0] : vector<256x32xf32> -> vector<32x256xf32>
    %swap3A_700 = arith.constant 43 : index
    %swap3A_701 = arith.constant 0 : index
    %swap3A_702 = arith.constant 0 : index
    %swap3A_703 = vector.load %arg4[%swap3A_700, %swap3A_701, %swap3A_702] : memref<50x32x256xf32, #tpu.memory_space<vmem>>, vector<1x32x256xf32>
    %swap3A_704 = vector.shape_cast %swap3A_703 : vector<1x32x256xf32> to vector<32x256xf32>
    %swap3A_705 = vector.shape_cast %transpose3A_699 : vector<32x256xf32> to vector<1x32x256xf32>
    tpu.vector_store %arg4[%swap3A_700, %swap3A_701, %swap3A_702], %swap3A_705 {strides = array<i32>} : memref<50x32x256xf32, #tpu.memory_space<vmem>>, vector<1x32x256xf32>,
    %slice3A_706 = vector.extract_strided_slice %get3A_1 {offsets = [0, 1408], sizes = [256, 32], strides = [1, 1]} : vector<256x1600xf32> to vector<256x32xf32>
    %transpose3A_707 = tpu.transpose %slice3A_706, [1, 0] : vector<256x32xf32> -> vector<32x256xf32>
    %swap3A_708 = arith.constant 44 : index
    %swap3A_709 = arith.constant 0 : index
    %swap3A_710 = arith.constant 0 : index
    %swap3A_711 = vector.load %arg3[%swap3A_708, %swap3A_709, %swap3A_710] : memref<50x32x256xf32, #tpu.memory_space<vmem>>, vector<1x32x256xf32>
    %swap3A_712 = vector.shape_cast %swap3A_711 : vector<1x32x256xf32> to vector<32x256xf32>
    %swap3A_713 = vector.shape_cast %transpose3A_707 : vector<32x256xf32> to vector<1x32x256xf32>
    tpu.vector_store %arg3[%swap3A_708, %swap3A_709, %swap3A_710], %swap3A_713 {strides = array<i32>} : memref<50x32x256xf32, #tpu.memory_space<vmem>>, vector<1x32x256xf32>,
    %slice3A_714 = vector.extract_strided_slice %get3A_4 {offsets = [0, 1408], sizes = [256, 32], strides = [1, 1]} : vector<256x1600xf32> to vector<256x32xf32>
    %transpose3A_715 = tpu.transpose %slice3A_714, [1, 0] : vector<256x32xf32> -> vector<32x256xf32>
    %swap3A_716 = arith.constant 44 : index
    %swap3A_717 = arith.constant 0 : index
    %swap3A_718 = arith.constant 0 : index
    %swap3A_719 = vector.load %arg4[%swap3A_716, %swap3A_717, %swap3A_718] : memref<50x32x256xf32, #tpu.memory_space<vmem>>, vector<1x32x256xf32>
    %swap3A_720 = vector.shape_cast %swap3A_719 : vector<1x32x256xf32> to vector<32x256xf32>
    %swap3A_721 = vector.shape_cast %transpose3A_715 : vector<32x256xf32> to vector<1x32x256xf32>
    tpu.vector_store %arg4[%swap3A_716, %swap3A_717, %swap3A_718], %swap3A_721 {strides = array<i32>} : memref<50x32x256xf32, #tpu.memory_space<vmem>>, vector<1x32x256xf32>,
    %slice3A_722 = vector.extract_strided_slice %get3A_1 {offsets = [0, 1440], sizes = [256, 32], strides = [1, 1]} : vector<256x1600xf32> to vector<256x32xf32>
    %transpose3A_723 = tpu.transpose %slice3A_722, [1, 0] : vector<256x32xf32> -> vector<32x256xf32>
    %swap3A_724 = arith.constant 45 : index
    %swap3A_725 = arith.constant 0 : index
    %swap3A_726 = arith.constant 0 : index
    %swap3A_727 = vector.load %arg3[%swap3A_724, %swap3A_725, %swap3A_726] : memref<50x32x256xf32, #tpu.memory_space<vmem>>, vector<1x32x256xf32>
    %swap3A_728 = vector.shape_cast %swap3A_727 : vector<1x32x256xf32> to vector<32x256xf32>
    %swap3A_729 = vector.shape_cast %transpose3A_723 : vector<32x256xf32> to vector<1x32x256xf32>
    tpu.vector_store %arg3[%swap3A_724, %swap3A_725, %swap3A_726], %swap3A_729 {strides = array<i32>} : memref<50x32x256xf32, #tpu.memory_space<vmem>>, vector<1x32x256xf32>,
    %slice3A_730 = vector.extract_strided_slice %get3A_4 {offsets = [0, 1440], sizes = [256, 32], strides = [1, 1]} : vector<256x1600xf32> to vector<256x32xf32>
    %transpose3A_731 = tpu.transpose %slice3A_730, [1, 0] : vector<256x32xf32> -> vector<32x256xf32>
    %swap3A_732 = arith.constant 45 : index
    %swap3A_733 = arith.constant 0 : index
    %swap3A_734 = arith.constant 0 : index
    %swap3A_735 = vector.load %arg4[%swap3A_732, %swap3A_733, %swap3A_734] : memref<50x32x256xf32, #tpu.memory_space<vmem>>, vector<1x32x256xf32>
    %swap3A_736 = vector.shape_cast %swap3A_735 : vector<1x32x256xf32> to vector<32x256xf32>
    %swap3A_737 = vector.shape_cast %transpose3A_731 : vector<32x256xf32> to vector<1x32x256xf32>
    tpu.vector_store %arg4[%swap3A_732, %swap3A_733, %swap3A_734], %swap3A_737 {strides = array<i32>} : memref<50x32x256xf32, #tpu.memory_space<vmem>>, vector<1x32x256xf32>,
    %slice3A_738 = vector.extract_strided_slice %get3A_1 {offsets = [0, 1472], sizes = [256, 32], strides = [1, 1]} : vector<256x1600xf32> to vector<256x32xf32>
    %transpose3A_739 = tpu.transpose %slice3A_738, [1, 0] : vector<256x32xf32> -> vector<32x256xf32>
    %swap3A_740 = arith.constant 46 : index
    %swap3A_741 = arith.constant 0 : index
    %swap3A_742 = arith.constant 0 : index
    %swap3A_743 = vector.load %arg3[%swap3A_740, %swap3A_741, %swap3A_742] : memref<50x32x256xf32, #tpu.memory_space<vmem>>, vector<1x32x256xf32>
    %swap3A_744 = vector.shape_cast %swap3A_743 : vector<1x32x256xf32> to vector<32x256xf32>
    %swap3A_745 = vector.shape_cast %transpose3A_739 : vector<32x256xf32> to vector<1x32x256xf32>
    tpu.vector_store %arg3[%swap3A_740, %swap3A_741, %swap3A_742], %swap3A_745 {strides = array<i32>} : memref<50x32x256xf32, #tpu.memory_space<vmem>>, vector<1x32x256xf32>,
    %slice3A_746 = vector.extract_strided_slice %get3A_4 {offsets = [0, 1472], sizes = [256, 32], strides = [1, 1]} : vector<256x1600xf32> to vector<256x32xf32>
    %transpose3A_747 = tpu.transpose %slice3A_746, [1, 0] : vector<256x32xf32> -> vector<32x256xf32>
    %swap3A_748 = arith.constant 46 : index
    %swap3A_749 = arith.constant 0 : index
    %swap3A_750 = arith.constant 0 : index
    %swap3A_751 = vector.load %arg4[%swap3A_748, %swap3A_749, %swap3A_750] : memref<50x32x256xf32, #tpu.memory_space<vmem>>, vector<1x32x256xf32>
    %swap3A_752 = vector.shape_cast %swap3A_751 : vector<1x32x256xf32> to vector<32x256xf32>
    %swap3A_753 = vector.shape_cast %transpose3A_747 : vector<32x256xf32> to vector<1x32x256xf32>
    tpu.vector_store %arg4[%swap3A_748, %swap3A_749, %swap3A_750], %swap3A_753 {strides = array<i32>} : memref<50x32x256xf32, #tpu.memory_space<vmem>>, vector<1x32x256xf32>,
    %slice3A_754 = vector.extract_strided_slice %get3A_1 {offsets = [0, 1504], sizes = [256, 32], strides = [1, 1]} : vector<256x1600xf32> to vector<256x32xf32>
    %transpose3A_755 = tpu.transpose %slice3A_754, [1, 0] : vector<256x32xf32> -> vector<32x256xf32>
    %swap3A_756 = arith.constant 47 : index
    %swap3A_757 = arith.constant 0 : index
    %swap3A_758 = arith.constant 0 : index
    %swap3A_759 = vector.load %arg3[%swap3A_756, %swap3A_757, %swap3A_758] : memref<50x32x256xf32, #tpu.memory_space<vmem>>, vector<1x32x256xf32>
    %swap3A_760 = vector.shape_cast %swap3A_759 : vector<1x32x256xf32> to vector<32x256xf32>
    %swap3A_761 = vector.shape_cast %transpose3A_755 : vector<32x256xf32> to vector<1x32x256xf32>
    tpu.vector_store %arg3[%swap3A_756, %swap3A_757, %swap3A_758], %swap3A_761 {strides = array<i32>} : memref<50x32x256xf32, #tpu.memory_space<vmem>>, vector<1x32x256xf32>,
    %slice3A_762 = vector.extract_strided_slice %get3A_4 {offsets = [0, 1504], sizes = [256, 32], strides = [1, 1]} : vector<256x1600xf32> to vector<256x32xf32>
    %transpose3A_763 = tpu.transpose %slice3A_762, [1, 0] : vector<256x32xf32> -> vector<32x256xf32>
    %swap3A_764 = arith.constant 47 : index
    %swap3A_765 = arith.constant 0 : index
    %swap3A_766 = arith.constant 0 : index
    %swap3A_767 = vector.load %arg4[%swap3A_764, %swap3A_765, %swap3A_766] : memref<50x32x256xf32, #tpu.memory_space<vmem>>, vector<1x32x256xf32>
    %swap3A_768 = vector.shape_cast %swap3A_767 : vector<1x32x256xf32> to vector<32x256xf32>
    %swap3A_769 = vector.shape_cast %transpose3A_763 : vector<32x256xf32> to vector<1x32x256xf32>
    tpu.vector_store %arg4[%swap3A_764, %swap3A_765, %swap3A_766], %swap3A_769 {strides = array<i32>} : memref<50x32x256xf32, #tpu.memory_space<vmem>>, vector<1x32x256xf32>,
    %slice3A_770 = vector.extract_strided_slice %get3A_1 {offsets = [0, 1536], sizes = [256, 32], strides = [1, 1]} : vector<256x1600xf32> to vector<256x32xf32>
    %transpose3A_771 = tpu.transpose %slice3A_770, [1, 0] : vector<256x32xf32> -> vector<32x256xf32>
    %swap3A_772 = arith.constant 48 : index
    %swap3A_773 = arith.constant 0 : index
    %swap3A_774 = arith.constant 0 : index
    %swap3A_775 = vector.load %arg3[%swap3A_772, %swap3A_773, %swap3A_774] : memref<50x32x256xf32, #tpu.memory_space<vmem>>, vector<1x32x256xf32>
    %swap3A_776 = vector.shape_cast %swap3A_775 : vector<1x32x256xf32> to vector<32x256xf32>
    %swap3A_777 = vector.shape_cast %transpose3A_771 : vector<32x256xf32> to vector<1x32x256xf32>
    tpu.vector_store %arg3[%swap3A_772, %swap3A_773, %swap3A_774], %swap3A_777 {strides = array<i32>} : memref<50x32x256xf32, #tpu.memory_space<vmem>>, vector<1x32x256xf32>,
    %slice3A_778 = vector.extract_strided_slice %get3A_4 {offsets = [0, 1536], sizes = [256, 32], strides = [1, 1]} : vector<256x1600xf32> to vector<256x32xf32>
    %transpose3A_779 = tpu.transpose %slice3A_778, [1, 0] : vector<256x32xf32> -> vector<32x256xf32>
    %swap3A_780 = arith.constant 48 : index
    %swap3A_781 = arith.constant 0 : index
    %swap3A_782 = arith.constant 0 : index
    %swap3A_783 = vector.load %arg4[%swap3A_780, %swap3A_781, %swap3A_782] : memref<50x32x256xf32, #tpu.memory_space<vmem>>, vector<1x32x256xf32>
    %swap3A_784 = vector.shape_cast %swap3A_783 : vector<1x32x256xf32> to vector<32x256xf32>
    %swap3A_785 = vector.shape_cast %transpose3A_779 : vector<32x256xf32> to vector<1x32x256xf32>
    tpu.vector_store %arg4[%swap3A_780, %swap3A_781, %swap3A_782], %swap3A_785 {strides = array<i32>} : memref<50x32x256xf32, #tpu.memory_space<vmem>>, vector<1x32x256xf32>,
    %slice3A_786 = vector.extract_strided_slice %get3A_1 {offsets = [0, 1568], sizes = [256, 32], strides = [1, 1]} : vector<256x1600xf32> to vector<256x32xf32>
    %transpose3A_787 = tpu.transpose %slice3A_786, [1, 0] : vector<256x32xf32> -> vector<32x256xf32>
    %swap3A_788 = arith.constant 49 : index
    %swap3A_789 = arith.constant 0 : index
    %swap3A_790 = arith.constant 0 : index
    %swap3A_791 = vector.load %arg3[%swap3A_788, %swap3A_789, %swap3A_790] : memref<50x32x256xf32, #tpu.memory_space<vmem>>, vector<1x32x256xf32>
    %swap3A_792 = vector.shape_cast %swap3A_791 : vector<1x32x256xf32> to vector<32x256xf32>
    %swap3A_793 = vector.shape_cast %transpose3A_787 : vector<32x256xf32> to vector<1x32x256xf32>
    tpu.vector_store %arg3[%swap3A_788, %swap3A_789, %swap3A_790], %swap3A_793 {strides = array<i32>} : memref<50x32x256xf32, #tpu.memory_space<vmem>>, vector<1x32x256xf32>,
    %slice3A_794 = vector.extract_strided_slice %get3A_4 {offsets = [0, 1568], sizes = [256, 32], strides = [1, 1]} : vector<256x1600xf32> to vector<256x32xf32>
    %transpose3A_795 = tpu.transpose %slice3A_794, [1, 0] : vector<256x32xf32> -> vector<32x256xf32>
    %swap3A_796 = arith.constant 49 : index
    %swap3A_797 = arith.constant 0 : index
    %swap3A_798 = arith.constant 0 : index
    %swap3A_799 = vector.load %arg4[%swap3A_796, %swap3A_797, %swap3A_798] : memref<50x32x256xf32, #tpu.memory_space<vmem>>, vector<1x32x256xf32>
    %swap3A_800 = vector.shape_cast %swap3A_799 : vector<1x32x256xf32> to vector<32x256xf32>
    %swap3A_801 = vector.shape_cast %transpose3A_795 : vector<32x256xf32> to vector<1x32x256xf32>
    tpu.vector_store %arg4[%swap3A_796, %swap3A_797, %swap3A_798], %swap3A_801 {strides = array<i32>} : memref<50x32x256xf32, #tpu.memory_space<vmem>>, vector<1x32x256xf32>,
    return
  }
  func.func @transform_0(%arg0: i32) -> (i32, i32) {
    %c0_i32 = arith.constant 0 : i32
    %c0_i32_0 = arith.constant 0 : i32
    return %arg0, %c0_i32 : i32, i32
  }
  func.func @transform_1(%arg0: i32) -> (i32, i32) {
    %c0_i32 = arith.constant 0 : i32
    %c0_i32_0 = arith.constant 0 : i32
    return %arg0, %c0_i32 : i32, i32
  }
  func.func @transform_2(%arg0: i32) -> (i32, i32, i32) {
    %c0_i32 = arith.constant 0 : i32
    %c0_i32_0 = arith.constant 0 : i32
    %c0_i32_1 = arith.constant 0 : i32
    return %c0_i32, %c0_i32_0, %arg0 : i32, i32, i32
  }
  func.func @transform_3(%arg0: i32) -> (i32, i32, i32) {
    %c0_i32 = arith.constant 0 : i32
    %c0_i32_0 = arith.constant 0 : i32
    %c0_i32_1 = arith.constant 0 : i32
    return %c0_i32, %c0_i32_0, %arg0 : i32, i32, i32
  }
}

</mosaic_0001>

<sc_bundles>
// kernel: kernel.4.cloned.1.call-start
scs
__scs_entry_jumppad:
0x0: {  	(pc) =	sbr.rel $0x88, $3  }
0x1: {  	(tag) =	ssettag $0x0;
	lr =	simm.s32 $0x1  }
0x2: {  	[smem:$0x3F9E] =	sst lr;
	_ =	strace $0xD0000000  }
0x3: {  	_ = 	snop  }
0x4: {  	_ = 	snop  }
0x5: {  	_ = 	snop  }
0x6: {  	_ = 	snop  }
0x7: {  	_ = 	snop  }
__scs_overlays_trampoline_lowered:
0x8: {  	[smem:$0x3FAD] =	sst s0  }
0x9: {  	[smem:$0x3FAE] =	sst s1  }
0xa: {  	[smem:$0x3FAF] =	sst s2  }
0xb: {  	[smem:$0x3FB0] =	sst s3  }
0xc: {  	[smem:$0x3FB1] =	sst s4  }
0xd: {  	[smem:$0x3FB2] =	sst s5  }
0xe: {  	[smem:$0x3FB3] =	sst s6  }
0xf: {  	[smem:$0x3FB4] =	sst s7  }
0x10: {  	[smem:$0x3FB5] =	sst s8  }
0x11: {  	[smem:$0x3FB6] =	sst s9;
	s0 =	simm.s32 @!p0 $0x0  }
0x12: {  	s1 =	sld [smem:$0x3F9C];
	s0 =	simm.s32 @p0 $0x1  }
0x13: {  	[smem:$0x3FB7] =	sst s0;
	s0 =	simm.s32 @!p1 $0x0  }
0x14: {  	s2 =	sld [smem:$0x3F9B];
	s0 =	simm.s32 @p1 $0x1  }
0x15: {  	[smem:$0x3FB8] =	sst s0;
	s0 =	simm.s32 @!p2 $0x0  }
0x16: {  	s3 =	sld [smem:$0x3FDB];
	s0 =	simm.s32 @p2 $0x1  }
0x17: {  	s4 =	simm.s32 $0x1BF5;
	[smem:$0x3FBA] =	sst s0  }
0x18: {  	s0 =	sld [smem:$0x3F9D];
	_ =	swait.ge [sflag:s4], $0x0  }
0x19: {  	s7 =	sld [smem:$0x3F9E]  }
0x1a: {  	s8 =	sadd.s32 $0xFFFFE003, lr  }
0x1b: {  	s9 =	sadd.s32 $0xFFFFFEF7, lr;
	s5 =	simm.s32 $0xFFFFFFFF;
	p2 =	slt.u32 s8, $0xFFFFF086  }
0x1c: {  	p1 =	slt.u32 s9, $0xF7A;
	s5 =	simm.s32 @!p2 $0x0  }
0x1d: {  	s5 =	simm.s32 @p1 $0x1;
	p0 =	seq.s32 s7, s2  }
0x1e: {  	s7 =	smul.u32 @!p0 $0xF7A, s2;
	p2 =	seq.s32 @!p0 s5, $0x0  }
0x1f: {  	s9 =	smul.u32 $0xF7A, s1;
	s8 =	simm.s32 @!p0 $0x1BF5;
	p2 =	por !p2, p0  }
0x20: {  	[sflag:s8] =	ssyncset.s32 @!p0 $0xFFFFF086;
	s6 =	sadd.s32 @!p0 s3, s7;
	s7 =	simm.s32 @!p0 $0x108  }
0x21: {  	s3 =	sadd.s32 s3, s9;
	s6 =	sadd.s32 @!p0 $0x88, s6;
	s7 =	simm.s32 @p2 $0x1082  }
0x22: {  	[simem:s7], [sflag:s8] =	dma.local @!p0 [hbm:s6], $0xF7A  }
0x23: {  	s9 =	sor.u32 $0xD0000000, s2;
	s6 =	simm.s32 $0x108;
	_ =	swait.ge @!p0 [sflag:s8], $0x0  }
0x24: {  	s3 =	sadd.s32 $0x88, s3;
	s6 =	simm.s32 @!p1 $0x1082;
	[sflag:s4] =	ssyncset.s32 $0xFFFFF086  }
0x25: {  	[simem:s6], [sflag:s4] =	dma.local [hbm:s3], $0xF7A  }
0x26: {  	[smem:$0x3F9E] =	sst s1;
	(tag) =	ssettag s2;
	_ =	strace s9  }
0x27: {  	s1 =	sld [smem:$0x3FAE]  }
0x28: {  	s2 =	sld [smem:$0x3FAF]  }
0x29: {  	s4 =	sld [smem:$0x3FB1]  }
0x2a: {  	p0 =	seq.s32 s5, $0x0;
	s5 =	sld [smem:$0x3FB2]  }
0x2b: {  	s6 =	sld [smem:$0x3FB3]  }
0x2c: {  	s7 =	sld [smem:$0x3FB4]  }
0x2d: {  	s3 =	simm.s32 $0x108;
	s8 =	sld [smem:$0x3FB5]  }
0x2e: {  	s3 =	simm.s32 @!p0 $0x1082;
	s9 =	sld [smem:$0x3FB6]  }
0x2f: {  	lr =	sadd.s32 s0, s3;
	s0 =	sld [smem:$0x3FAD]  }
0x30: {  	s3 =	sld [smem:$0x3FB0]  }
0x31: {  	[smem:$0x3FB9] =	sst s10  }
0x32: {  	s10 =	sld [smem:$0x3FB7];
	_ =	sdelay $0x3  }
0x33: {  	p0 =	seq.s32 s10, $0x1;
	s10 =	sld [smem:$0x3FB9];
	_ =	sdelay $0x3  }
0x34: {  	[smem:$0x3FB9] =	sst s10  }
0x35: {  	s10 =	sld [smem:$0x3FB8];
	_ =	sdelay $0x3  }
0x36: {  	p1 =	seq.s32 s10, $0x1;
	s10 =	sld [smem:$0x3FB9];
	_ =	sdelay $0x3  }
0x37: {  	[smem:$0x3FB9] =	sst s10  }
0x38: {  	s10 =	sld [smem:$0x3FBA]  }
0x39: {  	_ = 	snop;
	(pc) =	sbr.ind lr, $3  }
0x3a: {  	_ = 	snop  }
0x3b: {  	_ = 	snop  }
0x3c: {  	p2 =	seq.s32 s10, $0x1;
	s10 =	sld [smem:$0x3FB9]  }
0x3d: {  	_ =	shalt  }
0x3e: {  	_ =	shalt  }
0x3f: {  	_ =	shalt  }
0x40: {  	_ =	shalt  }
0x41: {  	_ =	shalt  }
0x42: {  	_ =	shalt  }
0x43: {  	_ =	shalt  }
0x44: {  	_ =	shalt  }
0x45: {  	_ =	shalt  }
0x46: {  	_ =	shalt  }
0x47: {  	_ =	shalt  }
0x48: {  	_ =	shalt  }
0x49: {  	_ =	shalt  }
0x4a: {  	_ =	shalt  }
0x4b: {  	_ =	shalt  }
0x4c: {  	_ =	shalt  }
0x4d: {  	_ =	shalt  }
0x4e: {  	_ =	shalt  }
0x4f: {  	_ =	shalt  }
0x50: {  	_ =	shalt  }
0x51: {  	_ =	shalt  }
0x52: {  	_ =	shalt  }
0x53: {  	_ =	shalt  }
0x54: {  	_ =	shalt  }
0x55: {  	_ =	shalt  }
0x56: {  	_ =	shalt  }
0x57: {  	_ =	shalt  }
0x58: {  	_ =	shalt  }
0x59: {  	_ =	shalt  }
0x5a: {  	_ =	shalt  }
0x5b: {  	_ =	shalt  }
0x5c: {  	_ =	shalt  }
0x5d: {  	_ =	shalt  }
0x5e: {  	_ =	shalt  }
0x5f: {  	_ =	shalt  }
0x60: {  	_ =	shalt  }
0x61: {  	_ =	shalt  }
0x62: {  	_ =	shalt  }
0x63: {  	_ =	shalt  }
0x64: {  	_ =	shalt  }
0x65: {  	_ =	shalt  }
0x66: {  	_ =	shalt  }
0x67: {  	_ =	shalt  }
0x68: {  	_ =	shalt  }
0x69: {  	_ =	shalt  }
0x6a: {  	_ =	shalt  }
0x6b: {  	_ =	shalt  }
0x6c: {  	_ =	shalt  }
0x6d: {  	_ =	shalt  }
0x6e: {  	_ =	shalt  }
0x6f: {  	_ =	shalt  }
0x70: {  	_ =	shalt  }
0x71: {  	_ =	shalt  }
0x72: {  	_ =	shalt  }
0x73: {  	_ =	shalt  }
0x74: {  	_ =	shalt  }
0x75: {  	_ =	shalt  }
0x76: {  	_ =	shalt  }
0x77: {  	_ =	shalt  }
0x78: {  	_ =	shalt  }
0x79: {  	_ =	shalt  }
0x7a: {  	_ =	shalt  }
0x7b: {  	_ =	shalt  }
0x7c: {  	_ =	shalt  }
0x7d: {  	_ =	shalt  }
0x7e: {  	_ =	shalt  }
0x7f: {  	_ =	shalt  }
0x80: {  	_ =	shalt  }
0x81: {  	_ =	shalt  }
0x82: {  	_ =	shalt  }
0x83: {  	_ =	shalt  }
0x84: {  	_ =	shalt  }
0x85: {  	_ =	shalt  }
0x86: {  	_ =	shalt  }
0x87: {  	_ =	shalt  }
.Lfunc_end0:
.L_simem_size_0:
called_computation_lowered:
.L_overlay_start_0:
0x88: {  	s2 =	sld [smem:$0x3FD9]  }
0x89: {  	s3 =	sld [smem:$0x3FFE];
	_ =	sdelay $0x1  }
0x8a: {  	s1 =	srdreg.scid  }
0x8b: {  	s0 =	sand.u32 $0x1, s1  }
0x8c: {  	s17 =	sshll.u32 s0, $0xA;
	s2 =	sadd.s32 s3, s2  }
0x8d: {  	s2 =	sadd.s32 s2, s17  }
0x8e: {  	[smem:$0x3FC5] =	sst s2  }
0x8f: {  	_ = 	snop  }
0x90: {  	s2 =	sld [smem:$0x3FD0];
	(tm) =	ssettm $0x1  }
0x91: {  	s18 =	sld [smem:$0x3FFB];
	_ =	sdelay $0x3  }
0x92: {  	_ =	strace s18  }
0x93: {  	s3 =	sld [smem:$0x3FFC];
	_ =	sdelay $0x3  }
0x94: {  	_ =	strace s3  }
0x95: {  	s3 =	sld [smem:$0x3FFD];
	_ =	sdelay $0x3  }
0x96: {  	_ =	strace s3  }
0x97: {  	_ =	strace $0x8FFFFFFF  }
0x98: {  	s19 =	sld [smem:$0x3FDB];
	_ =	sdelay $0x1  }
0x99: {  	s4 =	simm.s32 $_scs_section_size  }
0x9a: {  	s5 =	simm.s32 $_size__tile_overlayer_lowered;
	s6 =	simm.s32 $_tile_overlayer_lowered  }
0x9b: {  	s22 =	simm.s32 $0x1BFF;
	s21 =	sshll.u32 s6, $0x1;
	s3 =	sadd.s32 s4, s19  }
0x9c: {  	s7 =	simm.s32 $0x0;
	s20 =	sshll.u32 s5, $0x1;
	s5 =	sadd.s32 s21, s3  }
0x9d: {  	[timem:s7], [sflag:s22] =	dma.local [hbm:s5], s20  }
0x9e: {  	_ =	swait.ge [sflag:s22], s20  }
0x9f: {  	s4 =	ssub.s32 $0x0, s20;
	[sflag:s22] =	ssyncset.done $0x0  }
0xa0: {  	[sflag:s22] =	ssyncadd.s32 s4;
	_ =	sdelay $0x1  }
0xa1: {  	s23 =	simm.s32 $0x1B8B  }
0xa2: {  	_ =	swait.ge [sflag:s23], $0x1  }
0xa3: {  	[sflag:s23] =	ssyncset.done $0x0  }
0xa4: {  	s25 =	simm.s32 $0x1B8E;
	s24 =	sld [smem:$0x3FFE];
	[sflag:s23] =	ssyncadd.s32 $0xFFFFFFFF  }
0xa5: {  	s26 =	simm.s32 $execute0_lowered;
	[smem:$0x3FD2] =	sst s25  }
0xa6: {  	s5 =	sshll.u32 s26, $0x1;
	_ =	strace $0x80000046;
	[dreg:$0x1] =	wrdreg $0xFFFFFFFF  }
0xa7: {  	s28 =	simm.s32 $_size_execute0_lowered;
	s3 =	sadd.s32 s3, s5;
	[dreg:$0x0] =	wrdreg $0x0  }
0xa8: {  	s5 =	sshll.u32 s28, $0x1;
	[dreg:$0x2] =	wrdreg s3  }
0xa9: {  	[dreg:$0x3] =	wrdreg s5  }
0xaa: {  	[dreg:$0x4] =	wrdreg $0xC0  }
0xab: {  	_ =	task [dreg:s7], $0x5FFFF  }
0xac: {  	[dreg:$0x1] =	wrdreg $0xFFFFFFFF  }
0xad: {  	[dreg:$0x0] =	wrdreg $0x60  }
0xae: {  	[dreg:$0x2] =	wrdreg s2  }
0xaf: {  	[dreg:$0x3] =	wrdreg s24  }
0xb0: {  	[dreg:$0x4] =	wrdreg $0x9  }
0xb1: {  	_ =	task.clear_ibuf [dreg:s7], $0x5FFFF;
	_ =	strace $0x90000046  }
0xb2: {  	s29 =	simm.s32 $0x9;
	_ =	strace $0x80000051  }
0xb3: {  	_ =	swait.ge [sflag:s29], $0x1  }
0xb4: {  	[sflag:s29] =	ssyncadd.s32 $0xFFFFFFFF  }
0xb5: {  	_ =	strace $0x90000051  }
0xb6: {  	_ =	sfence  }
0xb7: {  	s30 =	sld [smem:$0x0];
	_ =	sdelay $0x2  }
0xb8: {  	s31 =	sshll.u32 s1, $0xD;
	s1 =	sshrl.u32 s1, $0x2  }
0xb9: {  	s3 =	sand.u32 $0x4000, s31;
	s1 =	sadd.s32 s1, s30  }
0xba: {  	s0 =	sor.u32 s3, s0;
	s1 =	sshll.u32 s1, $0x11  }
0xbb: {  	s0 =	sor.u32 s1, s0  }
0xbc: {  	s0 =	sadd.s32 $0x8F2B, s0  }
0xbd: {  	[sflag:s0] =	ssyncadd.remote.s32 $0x1  }
0xbe: {  	_ =	sfence.sel $0xFFFF  }
0xbf: {  	[dreg:$0x0] =	wrdreg $0xFFFFFFFF;
	(pc) =	sbr.abs _section_cstart, $3  }
0xc0: {  	[dreg:$0x1] =	wrdreg $0xFFFFFFFF  }
0xc1: {  	_ =	task.clear_ibuf [dreg:s7], $0x2FFFF;
	_ =	strace $0x9FFFFFFF  }
0xc2: {  	(tm) =	ssettm $0x7FFFFFFF  }
0xc3: {  	_ =	shalt  }
tec
execute0_lowered:
.L_overlay_start_1:
0x0: {  	(tag) =	ssettag $0x1  }
0x1: {  	s1 =	rddreg [dreg:$0x0]  }
0x2: {  	s7 =	rddreg [dreg:$0x1]  }
0x3: {  	s0 =	rddreg [dreg:$0x2];
	s2 =	simm.s32 $0x0;
	s3 =	srdreg.scid  }
0x4: {  	s12 =	simm.s32 $0x80;
	s13 =	simm.s32 $0x2;
	s14 =	simm.s32 $0x0  }
0x5: {  	[smem:$0x7FF] =	sst s2;
	s6 =	sand.u32 $0x1, s3;
	s4 =	sadd.s32 $0xF43000, s7  }
0x6: {  	s3 =	stileid.u32;
	s5 =	sadd.s32 $0xC00, s7;
	s8 =	sshll.u32 s6, $0x4  }
0x7: {  	_ =	strace $0x80000047;
	s9 =	ssub.s32 $0x2, s6;
	s8 =	sor.u32 s3, s8  }
0x8: {  	s6 =	sadd.s32 $0x19C00, s7;
	s10 =	sshrl.u32 s9, $0x1;
	s11 =	smul.u32 $0xC80, s8  }
0x9: {  	s7 =	sadd.s32 $0x339C00, s7;
	s10 =	ssub.s32 s9, s10;
	s8 =	smul.u32 $0xC8, s8  }
0xa: {  	s10 =	smax.u32 s10, $0x1;
	s9 =	sadd.s32 s5, s11;
	s11 =	simm.s32 $0x1  }
.LBB2_1:
0xb: {  	_ =	strace $0x80000048  }
0xc: {  	s16 =	simm.s32 $0xC8;
	s23 =	simm.s32 $0x0;
	s15 =	simm.s32 $0x0  }
0xd: {  	s17 =	simm.s32 $0x0;
	s21 =	simm.s32 $0x0;
	s18 =	simm.s32 $0x0  }
0xe: {  	[tilespmem:s2], [sflag:$0x3] =	stream.linear.gather [hbm4b:s9+s2], $0x80, $0x200038;
	[tilespmem:$0x4100] =	vst v63  }
0xf: {  	s19 =	simm.s32 $0x0;
	s20 =	simm.s32 $0x1;
	_ =	strace $0x90000048  }
.LBB2_2:
0x10: {  	s22 =	sadd.s32 $0x1, s23  }
0x11: {  	p0 =	seq.s32 s22, $0xC8  }
0x12: {  	s22 =	simm.s32 @p0 $0x0  }
0x13: {  	p1 =	sne.s32 s16, $0x1;
	p0 =	sne.s32 s23, s22  }
0x14: {  	p0 =	por !p1, !p0  }
0x15: {  	p0 =	por !p0, !p0  }
0x16: {  	s24 =	sadd.s32 @p0 s8, s22  }
0x17: {  	s25 =	sand.u32 @p0 $0x1, s20;
	s24 =	sshll.u32 @p0 s24, $0x4  }
0x18: {  	_ =	strace @p0 $0x80000049;
	s28 =	simm.s32 @p0 $0x0;
	s24 =	sand.u32 @p0 $0x1FFFFFF0, s24  }
0x19: {  	s26 =	sshll.u32 @p0 s25, $0x7;
	s25 =	sadd.s32 @p0 $0x3, s25;
	s24 =	sadd.s32 @p0 s5, s24  }
0x1a: {  	[tilespmem:s26], [sflag:s25] =	stream.linear.gather @p0 [hbm4b:s24+s28], $0x80, $0x200038;
	[tilespmem:$0x4100] =	vst v63  }
0x1b: {  	s29 =	sand.u32 $0x1, s19;
	_ =	strace @p0 $0x90000049  }
0x1c: {  	s24 =	sadd.s32 $0x3, s29;
	_ =	strace $0x8000004A  }
0x1d: {  	_ =	swait.ge [sflag:s24], $0x80  }
0x1e: {  	s26 =	sand.u32 $0x1, s18;
	[sflag:s24] =	ssyncset.done $0x0  }
0x1f: {  	s31 =	sshll.u32 s19, $0x7;
	s30 =	sshll.u32 s26, $0xC;
	[sflag:s24] =	ssyncadd.s32 $0xFFFFFF80  }
0x20: {  	s29 =	sor.u32 $0x100, s30;
	s24 =	sand.u32 $0x1, s17;
	_ =	strace $0x9000004A  }
0x21: {  	s30 =	sand.u32 $0x80, s31;
	s31 =	sshll.u32 s24, $0xC;
	_ =	strace $0x8000004B  }
0x22: {  	[tilespmem:s29], [sflag:$0x1] =	stream.indirect.gather [hbm4b:s1+s12], $0x20, s30, s12, $0x2000b8;
	[tilespmem:$0x4100] =	vst v63  }
0x23: {  	s28 =	sor.u32 $0x2100, s31  }
0x24: {  	[tilespmem:s28], [sflag:$0x2] =	stream.indirect.gather [hbm4b:s4+s12], $0x20, s30, s12, $0x2000b8;
	[tilespmem:$0x4100] =	vst v63  }
0x25: {  	_ =	swait.ge [sflag:s11], $0x1000  }
0x26: {  	p1 =	seq.s32 s16, $0x1;
	[sflag:s11] =	ssyncset.done $0x0  }
0x27: {  	p2 =	seq.s32 @!p1 s23, s22;
	[sflag:s11] =	ssyncadd.s32 $0xFFFFF000  }
0x28: {  	p1 =	por p1, !p2;
	_ =	swait.ge [sflag:s13], $0x1000  }
0x29: {  	s23 =	sadd.s32 @p1 s8, s23;
	[sflag:s13] =	ssyncset.done $0x0  }
0x2a: {  	s23 =	sshll.u32 @p1 s23, $0x9;
	[sflag:s13] =	ssyncadd.s32 $0xFFFFF000  }
0x2b: {  	s23 =	sand.u32 @p1 $0x1FFFFE00, s23;
	s25 =	simm.s32 $0x0;
	_ =	strace $0x9000004B  }
0x2c: {  	s25 =	sadd.s32 @p1 $0x5, s26;
	s26 =	sadd.s32 @p1 s6, s23;
	_ =	strace @p1 $0x8000004C  }
0x2d: {  	[hbm4b:s26+s2] =	stream.linear.scatter @p1 [tilespmem:s29], [sflag:s25], $0x1000, $0x200038;
	[tilespmem:$0x4100] =	vst v63  }
0x2e: {  	s18 =	sadd.s32 @p1 $0x1, s18;
	_ =	strace @p1 $0x9000004C  }
0x2f: {  	s23 =	sadd.s32 @p1 s7, s23;
	s24 =	sadd.s32 @p1 $0x7, s24;
	_ =	strace @p1 $0x8000004D  }
0x30: {  	[hbm4b:s23+s2] =	stream.linear.scatter @p1 [tilespmem:s28], [sflag:s24], $0x1000, $0x200038;
	[tilespmem:$0x4100] =	vst v63  }
0x31: {  	s25 =	simm.s32 @p1 $0x1;
	_ =	strace @p1 $0x9000004D;
	p1 =	seq.s32 s16, $0xC8  }
0x32: {  	s23 =	sand.u32 @!p1 $0x1, s21  }
0x33: {  	_ =	strace @!p1 $0x8000004E;
	s23 =	sadd.s32 @!p1 $0x5, s23  }
0x34: {  	_ =	swait.ge @!p1 [sflag:s23], $0x1000  }
0x35: {  	s24 =	simm.s32 $0x1;
	[sflag:s23] =	ssyncset.done @!p1 $0x0  }
0x36: {  	s24 =	simm.s32 @!p0 $0x0;
	[sflag:s23] =	ssyncadd.s32 @!p1 $0xFFFFF000  }
0x37: {  	s16 =	sadd.s32 $0xFFFFFFFF, s16;
	s23 =	sand.u32 @!p1 $0x1, s15;
	_ =	strace @!p1 $0x9000004E  }
0x38: {  	p0 =	sne.s32 s16, $0x0;
	s23 =	sadd.s32 @!p1 $0x7, s23;
	_ =	strace @!p1 $0x8000004F  }
.Ltmp0:
0x39: {  	s17 =	sadd.s32 s17, s25;
	_ =	swait.ge @!p1 [sflag:s23], $0x1000;
	(pc) =	sbr.rel @p0 .LBB2_2-.Ltmp0, $4  }
0x3a: {  	s20 =	sadd.s32 s24, s20;
	s24 =	sadd.s32 @!p1 $0x1, s21;
	[sflag:s23] =	ssyncset.done @!p1 $0x0  }
0x3b: {  	s24 =	smov.u32 @p1 s21;
	[sflag:s23] =	ssyncadd.s32 @!p1 $0xFFFFF000;
	s23 =	simm.s32 @!p1 $0x1  }
0x3c: {  	s19 =	sadd.s32 s19, s25;
	s21 =	smov.u32 s24;
	s23 =	simm.s32 @p1 $0x0  }
0x3d: {  	_ =	strace @!p1 $0x9000004F;
	s15 =	sadd.s32 s15, s23;
	s23 =	smov.u32 s22  }
0x3e: {  	s16 =	sand.u32 $0x1, s24  }
0x3f: {  	_ =	strace $0x80000050;
	s16 =	sadd.s32 $0x5, s16  }
0x40: {  	s14 =	sadd.s32 $0x1, s14;
	_ =	swait.ge [sflag:s16], $0x1000  }
0x41: {  	s15 =	sand.u32 $0x1, s15;
	p0 =	sne.s32 s14, s10;
	[sflag:s16] =	ssyncset.done $0x0  }
.Ltmp1:
0x42: {  	s15 =	sadd.s32 $0x7, s15;
	[sflag:s16] =	ssyncadd.s32 $0xFFFFF000;
	(pc) =	sbr.rel @p0 .LBB2_1-.Ltmp1, $4  }
0x43: {  	_ =	swait.ge [sflag:s15], $0x1000  }
0x44: {  	[sflag:s15] =	ssyncset.done $0x0  }
0x45: {  	[sflag:s15] =	ssyncadd.s32 $0xFFFFF000  }
0x46: {  	_ =	strace $0x90000050  }
0x47: {  	_ =	sfence.sel $0x180000  }
0x48: {  	[bflag:$0x0] =	sbarrier.arrive $0xFFFF  }
0x49: {  	p0 =	sne.s32 s3, $0x0;
	_ =	strace $0x90000047  }
0x4a: {  	s0 =	sadd.s32 @!p0 $0x100000, s0;
	[bflag:$0x2] =	sbarrier.arrive $0xFFFF  }
0x4b: {  	[sflag:s0] =	ssyncadd.tile.s32 @!p0 $0x1;
	_ =	shalt  }
.Lfunc_end2:
_tile_overlayer_lowered:
.L_overlay_start_2:
0x4c: {  	(tag) =	ssettag $0x2  }
0x4d: {  	s0 =	rddreg [dreg:$0x0];
	s2 =	stileid.u32  }
0x4e: {  	s1 =	rddreg [dreg:$0x1];
	p0 =	sne.s32 s2, $0x0  }
0x4f: {  	s3 =	rddreg [dreg:$0x2];
	[bflag:$0x3] =	sbarrier.arrive $0xFFFF;
	s2 =	simm.s32 @!p0 $0x1C03  }
0x50: {  	[timem:s3], [sflag:s2] =	dma.local @!p0 [hbm:s0], s1  }
0x51: {  	s0 =	simm.s32 @!p0 $0x3  }
0x52: {  	_ =	swait.ge @!p0 [sflag:s0], s1  }
0x53: {  	s1 =	ssub.s32 @!p0 $0x0, s1;
	[sflag:s0] =	ssyncset.done @!p0 $0x0  }
0x54: {  	[sflag:s0] =	ssyncadd.s32 @!p0 s1  }
0x55: {  	[bflag:$0x3] =	sbarrier.arrive $0xFFFF  }
0x56: {  	_ =	shalt  }

</sc_bundles>
